<compile_context>
chip_gen: v7x
topology: tpu7x:2x2x1
jax: 0.10.2.dev20260603
libtpu: 0.0.44.dev20260713+nightly
codegen_flags: <defaults>
</compile_context>

<pallas_src>
import functools

import jax
import jax.numpy as jnp
from jax import lax
from jax.experimental import pallas as pl
from jax.experimental.pallas import tpu as pltpu
from jax.experimental.pallas import tpu_sc as plsc

N_NODES = 10000
HIDDEN = 128
NC, NS = 2, 16
NW = NC * NS
CHUNK = 128
N_PAD = 10112
ROWS_PER_TILE = N_PAD // NS


DEPTH = 2


@functools.lru_cache(maxsize=None)
def _make_sc_kernel(base_quads, quad_rem_tiles, tail_chunks, total_chunks):
  mesh = plsc.VectorSubcoreMesh(core_axis_name="c", subcore_axis_name="s")

  @functools.partial(
      pl.kernel,
      mesh=mesh,
      compiler_params=pltpu.CompilerParams(needs_layout_passes=False),
      out_type=(
          jax.ShapeDtypeStruct((NC, N_PAD, HIDDEN), jnp.float32),
          jax.ShapeDtypeStruct((NW * N_PAD,), jnp.float32),
      ),
      scratch_types=[
          pltpu.VMEM((DEPTH, CHUNK), jnp.int32),
          pltpu.VMEM((DEPTH, CHUNK), jnp.int32),
          pltpu.VMEM((DEPTH, CHUNK, HIDDEN), jnp.float32),
          pltpu.VMEM((N_PAD,), jnp.float32),
          pltpu.VMEM_SHARED((N_PAD, HIDDEN), jnp.float32),
          [pltpu.SemaphoreType.DMA] * DEPTH,
          [pltpu.SemaphoreType.DMA] * DEPTH,
      ],
  )
  def sc_agg(x_hbm, row_hbm, col_hbm, g_out, cnt_out,
             ridx, cidx, rows, cnt_loc, acc, gsems, ssems):
    cid = lax.axis_index("c")
    sid = lax.axis_index("s")
    wid = cid * NS + sid
    r0 = sid * ROWS_PER_TILE

    zero16 = jnp.zeros((16,), jnp.float32)

    def _zero_rows(i, carry):
      def _zr(j, c2):
        rows[0, i, pl.ds(j * 16, 16)] = zero16
        return c2

      lax.fori_loop(0, HIDDEN // 16, _zr, 0)
      return carry

    lax.fori_loop(0, CHUNK, _zero_rows, 0)

    def _zero_cnt(i, carry):
      cnt_loc[pl.ds(i * 16, 16)] = zero16
      return carry

    lax.fori_loop(0, N_PAD // 16, _zero_cnt, 0)

    n_full, n_tail = divmod(ROWS_PER_TILE, CHUNK)
    for kk in range(n_full):
      pltpu.sync_copy(rows.at[0], acc.at[pl.ds(r0 + kk * CHUNK, CHUNK)])
    if n_tail:
      pltpu.sync_copy(rows.at[0, pl.ds(0, n_tail)],
                      acc.at[pl.ds(r0 + n_full * CHUNK, n_tail)])
    plsc.subcore_barrier()

    n_quads = base_quads + jnp.where(wid < quad_rem_tiles, 1, 0)
    start_chunk = (base_quads * DEPTH * wid
                   + DEPTH * jnp.minimum(wid, quad_rem_tiles)
                   + tail_chunks * jnp.where(wid > quad_rem_tiles, 1, 0))
    ones16 = jnp.ones((16,), jnp.float32)

    def _load_and_fire(b, chunk):
      off = jnp.minimum(start_chunk + chunk, total_chunks - 1) * CHUNK
      pltpu.sync_copy(row_hbm.at[pl.ds(off, CHUNK)], ridx.at[b])
      pltpu.sync_copy(col_hbm.at[pl.ds(off, CHUNK)], cidx.at[b])
      pltpu.async_copy(x_hbm.at[ridx.at[b]], rows.at[b], gsems[b])

    def _counts(b):
      def _cnt(j, c2):
        idx16 = cidx[b, pl.ds(j * 16, 16)]
        plsc.addupdate_scatter(cnt_loc, [idx16], ones16)
        return c2

      lax.fori_loop(0, CHUNK // 16, _cnt, 0)

    for b in range(DEPTH):
      _load_and_fire(b, b)

    def _quad(q, carry):
      for b in range(DEPTH):
        pltpu.make_async_copy(x_hbm.at[ridx.at[b]], rows.at[b],
                              gsems[b]).wait()
        pltpu.async_copy(rows.at[b], acc.at[cidx.at[b]], ssems[b], add=True)
        _counts(b)
      for b in range(DEPTH):
        pltpu.make_async_copy(rows.at[b], acc.at[cidx.at[b]],
                              ssems[b]).wait()
        _load_and_fire(b, (q + 1) * DEPTH + b)
      return carry

    lax.fori_loop(0, n_quads, _quad, 0)

    for b in range(DEPTH):
      pltpu.make_async_copy(x_hbm.at[ridx.at[b]], rows.at[b],
                            gsems[b]).wait()
    if tail_chunks:

      @pl.when(wid == quad_rem_tiles)
      def _tail():
        for b in range(tail_chunks):
          pltpu.sync_copy(rows.at[b], acc.at[cidx.at[b]], add=True)
          _counts(b)

    plsc.subcore_barrier()

    pltpu.sync_copy(acc.at[pl.ds(r0, ROWS_PER_TILE)],
                    g_out.at[cid, pl.ds(r0, ROWS_PER_TILE)])
    pltpu.sync_copy(cnt_loc, cnt_out.at[pl.ds(wid * N_PAD, N_PAD)])

  return sc_agg


_DN = (((1,), (1,)), ((), ()))


def _tc_xt_body(x_ref, w1_ref, b1_ref, xt_ref):
  xt_ref[...] = lax.dot_general(x_ref[...], w1_ref[...], _DN,
                                preferred_element_type=jnp.float32) + b1_ref[...]


def _tc_out_body(xt_ref, g_ref, cnt_ref, w1_ref, b1_ref, w2_ref, b2_ref,
                 s_ref, out_ref):
  g = g_ref[0, :N_NODES, :] + g_ref[1, :N_NODES, :]
  cnt = jnp.sum(cnt_ref[...], axis=0)[:N_NODES]
  w1 = w1_ref[...]
  w2 = w2_ref[...]
  b1 = b1_ref[...]
  b2 = b2_ref[...]
  w21 = jnp.dot(w2, w1, preferred_element_type=jnp.float32)
  s = lax.dot_general(g, w21, _DN, preferred_element_type=jnp.float32)
  d = lax.dot_general(b1, w2, _DN, preferred_element_type=jnp.float32) + b2
  denom = jnp.maximum(cnt, 1.0)[:, None]
  mean = (s + cnt[:, None] * d) / denom
  sig = 1.0 / (1.0 + jnp.exp(-s_ref[0, 0]))
  out_ref[...] = xt_ref[...] - sig * mean


def kernel(x, edge_index, W1, b1, W2, b2, anti_strength):
  n_edges = edge_index.shape[1]
  total_chunks = -(-n_edges // CHUNK)
  e_pad = total_chunks * CHUNK
  per_tile = total_chunks // NW
  base_quads, _ = divmod(per_tile, DEPTH)
  rem = total_chunks - base_quads * DEPTH * NW
  quad_rem_tiles, tail_chunks = divmod(rem, DEPTH)

  row = edge_index[0].astype(jnp.int32)
  col = edge_index[1].astype(jnp.int32)
  if e_pad > n_edges:
    dummy = N_NODES + jnp.arange(e_pad, dtype=jnp.int32) % (N_PAD - N_NODES)
    row_pad = dummy.at[:n_edges].set(row)
    col_pad = dummy.at[:n_edges].set(col)
    x_table = jnp.zeros((N_PAD, HIDDEN), jnp.float32).at[:N_NODES].set(x)
  else:
    row_pad, col_pad = row, col
    x_table = x

  g_partial, cnt_partial = _make_sc_kernel(
      base_quads, quad_rem_tiles, tail_chunks, total_chunks)(
          x_table, row_pad, col_pad)
  cnt_partial = cnt_partial.reshape(NW, N_PAD)

  b1r = b1.reshape(1, HIDDEN)
  xt = pl.pallas_call(
      _tc_xt_body,
      out_shape=jax.ShapeDtypeStruct((N_NODES, HIDDEN), jnp.float32),
  )(x, W1, b1r)

  return pl.pallas_call(
      _tc_out_body,
      out_shape=jax.ShapeDtypeStruct((N_NODES, HIDDEN), jnp.float32),
  )(xt, g_partial, cnt_partial, W1, b1r, W2,
    b2.reshape(1, HIDDEN), anti_strength.reshape(1, 1))

# --- scband reference (transcript-rebuilt; emitter-appended) ---
"""Pipeline reference for scband-anti-gcnconv-37082747634275 (READ-ONLY COPY).

The authoritative reference and input builder live on the scoring server;
editing this copy changes nothing except your own understanding.
"""

import jax, jax.numpy as jnp
import numpy as np

N_NODES = 10000
N_EDGES = 320000
HIDDEN = 128

def setup_inputs(seed: int = 0) -> dict:
    key = jax.random.key(seed)
    k1, k2, k3, k4, k5, k6 = jax.random.split(key, 6)
    x = jax.random.normal(k1, (N_NODES, HIDDEN), dtype=jnp.float32)
    edge_index = jax.random.randint(k2, (2, N_EDGES), 0, N_NODES, dtype=jnp.int64)
    bound = 1.0 / np.sqrt(HIDDEN)
    W1 = jax.random.uniform(k3, (HIDDEN, HIDDEN), minval=-bound, maxval=bound, dtype=jnp.float32)
    b1 = jax.random.uniform(k4, (HIDDEN,), minval=-bound, maxval=bound, dtype=jnp.float32)
    W2 = jax.random.uniform(k5, (HIDDEN, HIDDEN), minval=-bound, maxval=bound, dtype=jnp.float32)
    b2 = jax.random.uniform(k6, (HIDDEN,), minval=-bound, maxval=bound, dtype=jnp.float32)
    anti_strength = jnp.array(0.5, dtype=jnp.float32)
    return {"x": x, "edge_index": edge_index, "W1": W1, "b1": b1, "W2": W2, "b2": b2, "anti_strength": anti_strength}

def reference(x, edge_index, W1, b1, W2, b2, anti_strength):
    row = edge_index[0]
    col = edge_index[1]
    x_transformed = x @ W1.T + b1
    gathered = jnp.take(x_transformed, row, axis=0)
    neighbor_msgs = gathered @ W2.T + b2
    sums = jax.ops.segment_sum(neighbor_msgs, col, num_segments=x.shape[0])
    counts = jax.ops.segment_sum(jnp.ones((neighbor_msgs.shape[0],), dtype=jnp.float32), col, num_segments=x.shape[0])
    counts = jnp.clip(counts, 1.0, None)
    neighbor_mean = sums / counts[:, None]
    anti_smooth_output = x_transformed - jax.nn.sigmoid(anti_strength) * neighbor_mean
    return anti_smooth_output

if __name__ == "__main__":
    import jax
    _d = setup_inputs()
    print(jax.jit(kernel)(*tuple(_d.values())))

</pallas_src>

<mosaic_0001>
#map = affine_map<(d0, d1) -> (0, 0)>
#map1 = affine_map<(d0, d1) -> (0)>
#map2 = affine_map<(d0, d1) -> (0, 0, 0)>
module attributes {stable_mosaic.version = 14 : i64} {
  func.func @sc_agg(%arg0: i32, %arg1: i32, %arg2: memref<10000x128xf32, #tpu.memory_space<hbm>>, %arg3: memref<320000xi32, #tpu.memory_space<hbm>>, %arg4: memref<320000xi32, #tpu.memory_space<hbm>>, %arg5: memref<2x10112x128xf32, #tpu.memory_space<hbm>>, %arg6: memref<323584xf32, #tpu.memory_space<hbm>>, %arg7: memref<2x128xi32, #tpu.memory_space<vmem>>, %arg8: memref<2x128xi32, #tpu.memory_space<vmem>>, %arg9: memref<2x128x128xf32, #tpu.memory_space<vmem>>, %arg10: memref<10112xf32, #tpu.memory_space<vmem>>, %arg11: memref<10112x128xf32, #tpu.memory_space<vmem_shared>>, %arg12: memref<!tpu.dma_semaphore, #tpu.memory_space<semaphore_mem>>, %arg13: memref<!tpu.dma_semaphore, #tpu.memory_space<semaphore_mem>>, %arg14: memref<!tpu.dma_semaphore, #tpu.memory_space<semaphore_mem>>, %arg15: memref<!tpu.dma_semaphore, #tpu.memory_space<semaphore_mem>>) attributes {dimension_semantics = [#tpu.dimension_semantics<core_parallel>, #tpu.dimension_semantics<subcore_parallel>], iteration_bounds = array<i64: 2, 16>, scalar_prefetch = 0 : i64, scratch_operands = 9 : i64, tpu.core_type = #tpu.core_type<sc_vector_subcore>, window_params = [{transform_indices = #map}, {transform_indices = #map1}, {transform_indices = #map1}, {transform_indices = #map2}, {transform_indices = #map1}]} {
    %mul3A = arith.constant 16 : i32
    %mul3A_0 = arith.muli %arg0, %mul3A : i32
    %add3A = arith.addi %mul3A_0, %arg1 : i32
    %mul3A_1 = arith.constant 632 : i32
    %mul3A_2 = arith.muli %arg1, %mul3A_1 : i32
    %broadcast_in_dim3A = arith.constant 0.000000e+00 : f32
    %broadcast_in_dim3A_3 = vector.broadcast %broadcast_in_dim3A : f32 to vector<16xf32>
    %scan3A = arith.constant 0 : i32
    %scan3A_4 = arith.constant 0 : i32
    %scan3A_5 = arith.constant 128 : i32
    %scan3A_6 = arith.addi %scan3A_4, %scan3A_5 : i32
    %scan3A_7 = arith.constant 1 : i32
    scf.for %scan3A_122 = %scan3A_4 to %scan3A_6 step %scan3A_7  : i32 {
      %scan3A_123 = arith.constant 0 : i32
      %scan3A_124 = arith.constant 0 : i32
      %scan3A_125 = arith.constant 8 : i32
      %scan3A_126 = arith.addi %scan3A_124, %scan3A_125 : i32
      %scan3A_127 = arith.constant 1 : i32
      scf.for %scan3A_129 = %scan3A_124 to %scan3A_126 step %scan3A_127  : i32 {
        %mul3A_130 = arith.constant 16 : i32
        %mul3A_131 = arith.muli %scan3A_129, %mul3A_130 : i32
        %swap3A = arith.constant 0 : i32
        %swap3A_132 = arith.index_cast %swap3A : i32 to index
        %swap3A_133 = arith.index_cast %scan3A_122 : i32 to index
        %swap3A_134 = arith.index_cast %mul3A_131 : i32 to index
        %swap3A_135 = tpu.vector_load %arg9[%swap3A_132, %swap3A_133, %swap3A_134] {strides = array<i32>} : memref<2x128x128xf32, #tpu.memory_space<vmem>>, vector<16xf32>,
        tpu.vector_store %arg9[%swap3A_132, %swap3A_133, %swap3A_134], %broadcast_in_dim3A_3 {strides = array<i32>} : memref<2x128x128xf32, #tpu.memory_space<vmem>>, vector<16xf32>,
      }
      %scan3A_128 = arith.constant 8 : i32
    }
    %scan3A_8 = arith.constant 128 : i32
    %scan3A_9 = arith.constant 0 : i32
    %scan3A_10 = arith.constant 0 : i32
    %scan3A_11 = arith.constant 632 : i32
    %scan3A_12 = arith.addi %scan3A_10, %scan3A_11 : i32
    %scan3A_13 = arith.constant 1 : i32
    scf.for %scan3A_122 = %scan3A_10 to %scan3A_12 step %scan3A_13  : i32 {
      %mul3A_123 = arith.constant 16 : i32
      %mul3A_124 = arith.muli %scan3A_122, %mul3A_123 : i32
      %swap3A = arith.index_cast %mul3A_124 : i32 to index
      %swap3A_125 = tpu.vector_load %arg10[%swap3A] {strides = array<i32>} : memref<10112xf32, #tpu.memory_space<vmem>>, vector<16xf32>,
      tpu.vector_store %arg10[%swap3A], %broadcast_in_dim3A_3 {strides = array<i32>} : memref<10112xf32, #tpu.memory_space<vmem>>, vector<16xf32>,
    }
    %scan3A_14 = arith.constant 632 : i32
    %add3A_15 = arith.constant 0 : i32
    %add3A_16 = arith.addi %mul3A_2, %add3A_15 : i32
    %run_scoped3A = arith.constant 0 : i32
    "tpu.region"() ({
      %run_scoped3A_122 = tpu.sem_alloc : memref<!tpu.dma_semaphore, #tpu.memory_space<semaphore_mem>>
      %dma_start3A_123 = arith.constant 0 : i32
      %dma_start3A_124 = arith.constant 0 : i32
      %dma_start3A_125 = tpu.memref_slice %arg9[%run_scoped3A, %dma_start3A_123, %dma_start3A_124] : memref<2x128x128xf32, #tpu.memory_space<vmem>> -> memref<1x128x128xf32, #tpu.memory_space<vmem>>
      %dma_start3A_126 = tpu.memref_squeeze %dma_start3A_125 : memref<1x128x128xf32, #tpu.memory_space<vmem>> -> memref<128x128xf32, #tpu.memory_space<vmem>>
      %dma_start3A_127 = arith.constant 0 : i32
      %dma_start3A_128 = tpu.memref_slice %arg11[%add3A_16, %dma_start3A_127] : memref<10112x128xf32, #tpu.memory_space<vmem_shared>> -> memref<128x128xf32, #tpu.memory_space<vmem_shared>>
      %dma_start3A_129 = arith.constant 0 : i32
      %dma_start3A_130 = tpu.memref_slice %arg11[%add3A_16, %dma_start3A_129] : memref<10112x128xf32, #tpu.memory_space<vmem_shared>> -> memref<128x128xf32, #tpu.memory_space<vmem_shared>>
      %dma_start3A_131 = arith.constant 0 : i32
      %dma_start3A_132 = arith.constant 0 : i32
      %dma_start3A_133 = tpu.memref_slice %arg9[%run_scoped3A, %dma_start3A_131, %dma_start3A_132] : memref<2x128x128xf32, #tpu.memory_space<vmem>> -> memref<1x128x128xf32, #tpu.memory_space<vmem>>
      %dma_start3A_134 = tpu.memref_squeeze %dma_start3A_133 : memref<1x128x128xf32, #tpu.memory_space<vmem>> -> memref<128x128xf32, #tpu.memory_space<vmem>>
      tpu.enqueue_dma source(%dma_start3A_134 : memref<128x128xf32, #tpu.memory_space<vmem>>) target(%dma_start3A_130 : memref<128x128xf32, #tpu.memory_space<vmem_shared>>) target_semaphore(%run_scoped3A_122 : memref<!tpu.dma_semaphore, #tpu.memory_space<semaphore_mem>>)
      %dma_wait3A_135 = arith.constant 0 : i32
      %dma_wait3A_136 = arith.constant 0 : i32
      %dma_wait3A_137 = tpu.memref_slice %arg9[%run_scoped3A, %dma_wait3A_135, %dma_wait3A_136] : memref<2x128x128xf32, #tpu.memory_space<vmem>> -> memref<1x128x128xf32, #tpu.memory_space<vmem>>
      %dma_wait3A_138 = tpu.memref_squeeze %dma_wait3A_137 : memref<1x128x128xf32, #tpu.memory_space<vmem>> -> memref<128x128xf32, #tpu.memory_space<vmem>>
      %dma_wait3A_139 = arith.constant 0 : i32
      %dma_wait3A_140 = tpu.memref_slice %arg11[%add3A_16, %dma_wait3A_139] : memref<10112x128xf32, #tpu.memory_space<vmem_shared>> -> memref<128x128xf32, #tpu.memory_space<vmem_shared>>
      %dma_wait3A_141 = arith.constant 0 : i32
      %dma_wait3A_142 = tpu.memref_slice %arg11[%add3A_16, %dma_wait3A_141] : memref<10112x128xf32, #tpu.memory_space<vmem_shared>> -> memref<128x128xf32, #tpu.memory_space<vmem_shared>>
      %dma_wait3A_143 = arith.constant 0 : i32
      %dma_wait3A_144 = arith.constant 0 : i32
      %dma_wait3A_145 = tpu.memref_slice %arg9[%run_scoped3A, %dma_wait3A_143, %dma_wait3A_144] : memref<2x128x128xf32, #tpu.memory_space<vmem>> -> memref<1x128x128xf32, #tpu.memory_space<vmem>>
      %dma_wait3A_146 = tpu.memref_squeeze %dma_wait3A_145 : memref<1x128x128xf32, #tpu.memory_space<vmem>> -> memref<128x128xf32, #tpu.memory_space<vmem>>
      tpu.wait_dma2 semaphore(%run_scoped3A_122 : memref<!tpu.dma_semaphore, #tpu.memory_space<semaphore_mem>>) src(%dma_wait3A_146 : memref<128x128xf32, #tpu.memory_space<vmem>>) dst(%dma_wait3A_142 : memref<128x128xf32, #tpu.memory_space<vmem_shared>>)
      tpu.yield
    }) : () -> ()
    %add3A_17 = arith.constant 128 : i32
    %add3A_18 = arith.addi %mul3A_2, %add3A_17 : i32
    %run_scoped3A_19 = arith.constant 0 : i32
    "tpu.region"() ({
      %run_scoped3A_122 = tpu.sem_alloc : memref<!tpu.dma_semaphore, #tpu.memory_space<semaphore_mem>>
      %dma_start3A_123 = arith.constant 0 : i32
      %dma_start3A_124 = arith.constant 0 : i32
      %dma_start3A_125 = tpu.memref_slice %arg9[%run_scoped3A_19, %dma_start3A_123, %dma_start3A_124] : memref<2x128x128xf32, #tpu.memory_space<vmem>> -> memref<1x128x128xf32, #tpu.memory_space<vmem>>
      %dma_start3A_126 = tpu.memref_squeeze %dma_start3A_125 : memref<1x128x128xf32, #tpu.memory_space<vmem>> -> memref<128x128xf32, #tpu.memory_space<vmem>>
      %dma_start3A_127 = arith.constant 0 : i32
      %dma_start3A_128 = tpu.memref_slice %arg11[%add3A_18, %dma_start3A_127] : memref<10112x128xf32, #tpu.memory_space<vmem_shared>> -> memref<128x128xf32, #tpu.memory_space<vmem_shared>>
      %dma_start3A_129 = arith.constant 0 : i32
      %dma_start3A_130 = tpu.memref_slice %arg11[%add3A_18, %dma_start3A_129] : memref<10112x128xf32, #tpu.memory_space<vmem_shared>> -> memref<128x128xf32, #tpu.memory_space<vmem_shared>>
      %dma_start3A_131 = arith.constant 0 : i32
      %dma_start3A_132 = arith.constant 0 : i32
      %dma_start3A_133 = tpu.memref_slice %arg9[%run_scoped3A_19, %dma_start3A_131, %dma_start3A_132] : memref<2x128x128xf32, #tpu.memory_space<vmem>> -> memref<1x128x128xf32, #tpu.memory_space<vmem>>
      %dma_start3A_134 = tpu.memref_squeeze %dma_start3A_133 : memref<1x128x128xf32, #tpu.memory_space<vmem>> -> memref<128x128xf32, #tpu.memory_space<vmem>>
      tpu.enqueue_dma source(%dma_start3A_134 : memref<128x128xf32, #tpu.memory_space<vmem>>) target(%dma_start3A_130 : memref<128x128xf32, #tpu.memory_space<vmem_shared>>) target_semaphore(%run_scoped3A_122 : memref<!tpu.dma_semaphore, #tpu.memory_space<semaphore_mem>>)
      %dma_wait3A_135 = arith.constant 0 : i32
      %dma_wait3A_136 = arith.constant 0 : i32
      %dma_wait3A_137 = tpu.memref_slice %arg9[%run_scoped3A_19, %dma_wait3A_135, %dma_wait3A_136] : memref<2x128x128xf32, #tpu.memory_space<vmem>> -> memref<1x128x128xf32, #tpu.memory_space<vmem>>
      %dma_wait3A_138 = tpu.memref_squeeze %dma_wait3A_137 : memref<1x128x128xf32, #tpu.memory_space<vmem>> -> memref<128x128xf32, #tpu.memory_space<vmem>>
      %dma_wait3A_139 = arith.constant 0 : i32
      %dma_wait3A_140 = tpu.memref_slice %arg11[%add3A_18, %dma_wait3A_139] : memref<10112x128xf32, #tpu.memory_space<vmem_shared>> -> memref<128x128xf32, #tpu.memory_space<vmem_shared>>
      %dma_wait3A_141 = arith.constant 0 : i32
      %dma_wait3A_142 = tpu.memref_slice %arg11[%add3A_18, %dma_wait3A_141] : memref<10112x128xf32, #tpu.memory_space<vmem_shared>> -> memref<128x128xf32, #tpu.memory_space<vmem_shared>>
      %dma_wait3A_143 = arith.constant 0 : i32
      %dma_wait3A_144 = arith.constant 0 : i32
      %dma_wait3A_145 = tpu.memref_slice %arg9[%run_scoped3A_19, %dma_wait3A_143, %dma_wait3A_144] : memref<2x128x128xf32, #tpu.memory_space<vmem>> -> memref<1x128x128xf32, #tpu.memory_space<vmem>>
      %dma_wait3A_146 = tpu.memref_squeeze %dma_wait3A_145 : memref<1x128x128xf32, #tpu.memory_space<vmem>> -> memref<128x128xf32, #tpu.memory_space<vmem>>
      tpu.wait_dma2 semaphore(%run_scoped3A_122 : memref<!tpu.dma_semaphore, #tpu.memory_space<semaphore_mem>>) src(%dma_wait3A_146 : memref<128x128xf32, #tpu.memory_space<vmem>>) dst(%dma_wait3A_142 : memref<128x128xf32, #tpu.memory_space<vmem_shared>>)
      tpu.yield
    }) : () -> ()
    %add3A_20 = arith.constant 256 : i32
    %add3A_21 = arith.addi %mul3A_2, %add3A_20 : i32
    %run_scoped3A_22 = arith.constant 0 : i32
    "tpu.region"() ({
      %run_scoped3A_122 = tpu.sem_alloc : memref<!tpu.dma_semaphore, #tpu.memory_space<semaphore_mem>>
      %dma_start3A_123 = arith.constant 0 : i32
      %dma_start3A_124 = arith.constant 0 : i32
      %dma_start3A_125 = tpu.memref_slice %arg9[%run_scoped3A_22, %dma_start3A_123, %dma_start3A_124] : memref<2x128x128xf32, #tpu.memory_space<vmem>> -> memref<1x128x128xf32, #tpu.memory_space<vmem>>
      %dma_start3A_126 = tpu.memref_squeeze %dma_start3A_125 : memref<1x128x128xf32, #tpu.memory_space<vmem>> -> memref<128x128xf32, #tpu.memory_space<vmem>>
      %dma_start3A_127 = arith.constant 0 : i32
      %dma_start3A_128 = tpu.memref_slice %arg11[%add3A_21, %dma_start3A_127] : memref<10112x128xf32, #tpu.memory_space<vmem_shared>> -> memref<128x128xf32, #tpu.memory_space<vmem_shared>>
      %dma_start3A_129 = arith.constant 0 : i32
      %dma_start3A_130 = tpu.memref_slice %arg11[%add3A_21, %dma_start3A_129] : memref<10112x128xf32, #tpu.memory_space<vmem_shared>> -> memref<128x128xf32, #tpu.memory_space<vmem_shared>>
      %dma_start3A_131 = arith.constant 0 : i32
      %dma_start3A_132 = arith.constant 0 : i32
      %dma_start3A_133 = tpu.memref_slice %arg9[%run_scoped3A_22, %dma_start3A_131, %dma_start3A_132] : memref<2x128x128xf32, #tpu.memory_space<vmem>> -> memref<1x128x128xf32, #tpu.memory_space<vmem>>
      %dma_start3A_134 = tpu.memref_squeeze %dma_start3A_133 : memref<1x128x128xf32, #tpu.memory_space<vmem>> -> memref<128x128xf32, #tpu.memory_space<vmem>>
      tpu.enqueue_dma source(%dma_start3A_134 : memref<128x128xf32, #tpu.memory_space<vmem>>) target(%dma_start3A_130 : memref<128x128xf32, #tpu.memory_space<vmem_shared>>) target_semaphore(%run_scoped3A_122 : memref<!tpu.dma_semaphore, #tpu.memory_space<semaphore_mem>>)
      %dma_wait3A_135 = arith.constant 0 : i32
      %dma_wait3A_136 = arith.constant 0 : i32
      %dma_wait3A_137 = tpu.memref_slice %arg9[%run_scoped3A_22, %dma_wait3A_135, %dma_wait3A_136] : memref<2x128x128xf32, #tpu.memory_space<vmem>> -> memref<1x128x128xf32, #tpu.memory_space<vmem>>
      %dma_wait3A_138 = tpu.memref_squeeze %dma_wait3A_137 : memref<1x128x128xf32, #tpu.memory_space<vmem>> -> memref<128x128xf32, #tpu.memory_space<vmem>>
      %dma_wait3A_139 = arith.constant 0 : i32
      %dma_wait3A_140 = tpu.memref_slice %arg11[%add3A_21, %dma_wait3A_139] : memref<10112x128xf32, #tpu.memory_space<vmem_shared>> -> memref<128x128xf32, #tpu.memory_space<vmem_shared>>
      %dma_wait3A_141 = arith.constant 0 : i32
      %dma_wait3A_142 = tpu.memref_slice %arg11[%add3A_21, %dma_wait3A_141] : memref<10112x128xf32, #tpu.memory_space<vmem_shared>> -> memref<128x128xf32, #tpu.memory_space<vmem_shared>>
      %dma_wait3A_143 = arith.constant 0 : i32
      %dma_wait3A_144 = arith.constant 0 : i32
      %dma_wait3A_145 = tpu.memref_slice %arg9[%run_scoped3A_22, %dma_wait3A_143, %dma_wait3A_144] : memref<2x128x128xf32, #tpu.memory_space<vmem>> -> memref<1x128x128xf32, #tpu.memory_space<vmem>>
      %dma_wait3A_146 = tpu.memref_squeeze %dma_wait3A_145 : memref<1x128x128xf32, #tpu.memory_space<vmem>> -> memref<128x128xf32, #tpu.memory_space<vmem>>
      tpu.wait_dma2 semaphore(%run_scoped3A_122 : memref<!tpu.dma_semaphore, #tpu.memory_space<semaphore_mem>>) src(%dma_wait3A_146 : memref<128x128xf32, #tpu.memory_space<vmem>>) dst(%dma_wait3A_142 : memref<128x128xf32, #tpu.memory_space<vmem_shared>>)
      tpu.yield
    }) : () -> ()
    %add3A_23 = arith.constant 384 : i32
    %add3A_24 = arith.addi %mul3A_2, %add3A_23 : i32
    %run_scoped3A_25 = arith.constant 0 : i32
    "tpu.region"() ({
      %run_scoped3A_122 = tpu.sem_alloc : memref<!tpu.dma_semaphore, #tpu.memory_space<semaphore_mem>>
      %dma_start3A_123 = arith.constant 0 : i32
      %dma_start3A_124 = arith.constant 0 : i32
      %dma_start3A_125 = tpu.memref_slice %arg9[%run_scoped3A_25, %dma_start3A_123, %dma_start3A_124] : memref<2x128x128xf32, #tpu.memory_space<vmem>> -> memref<1x128x128xf32, #tpu.memory_space<vmem>>
      %dma_start3A_126 = tpu.memref_squeeze %dma_start3A_125 : memref<1x128x128xf32, #tpu.memory_space<vmem>> -> memref<128x128xf32, #tpu.memory_space<vmem>>
      %dma_start3A_127 = arith.constant 0 : i32
      %dma_start3A_128 = tpu.memref_slice %arg11[%add3A_24, %dma_start3A_127] : memref<10112x128xf32, #tpu.memory_space<vmem_shared>> -> memref<128x128xf32, #tpu.memory_space<vmem_shared>>
      %dma_start3A_129 = arith.constant 0 : i32
      %dma_start3A_130 = tpu.memref_slice %arg11[%add3A_24, %dma_start3A_129] : memref<10112x128xf32, #tpu.memory_space<vmem_shared>> -> memref<128x128xf32, #tpu.memory_space<vmem_shared>>
      %dma_start3A_131 = arith.constant 0 : i32
      %dma_start3A_132 = arith.constant 0 : i32
      %dma_start3A_133 = tpu.memref_slice %arg9[%run_scoped3A_25, %dma_start3A_131, %dma_start3A_132] : memref<2x128x128xf32, #tpu.memory_space<vmem>> -> memref<1x128x128xf32, #tpu.memory_space<vmem>>
      %dma_start3A_134 = tpu.memref_squeeze %dma_start3A_133 : memref<1x128x128xf32, #tpu.memory_space<vmem>> -> memref<128x128xf32, #tpu.memory_space<vmem>>
      tpu.enqueue_dma source(%dma_start3A_134 : memref<128x128xf32, #tpu.memory_space<vmem>>) target(%dma_start3A_130 : memref<128x128xf32, #tpu.memory_space<vmem_shared>>) target_semaphore(%run_scoped3A_122 : memref<!tpu.dma_semaphore, #tpu.memory_space<semaphore_mem>>)
      %dma_wait3A_135 = arith.constant 0 : i32
      %dma_wait3A_136 = arith.constant 0 : i32
      %dma_wait3A_137 = tpu.memref_slice %arg9[%run_scoped3A_25, %dma_wait3A_135, %dma_wait3A_136] : memref<2x128x128xf32, #tpu.memory_space<vmem>> -> memref<1x128x128xf32, #tpu.memory_space<vmem>>
      %dma_wait3A_138 = tpu.memref_squeeze %dma_wait3A_137 : memref<1x128x128xf32, #tpu.memory_space<vmem>> -> memref<128x128xf32, #tpu.memory_space<vmem>>
      %dma_wait3A_139 = arith.constant 0 : i32
      %dma_wait3A_140 = tpu.memref_slice %arg11[%add3A_24, %dma_wait3A_139] : memref<10112x128xf32, #tpu.memory_space<vmem_shared>> -> memref<128x128xf32, #tpu.memory_space<vmem_shared>>
      %dma_wait3A_141 = arith.constant 0 : i32
      %dma_wait3A_142 = tpu.memref_slice %arg11[%add3A_24, %dma_wait3A_141] : memref<10112x128xf32, #tpu.memory_space<vmem_shared>> -> memref<128x128xf32, #tpu.memory_space<vmem_shared>>
      %dma_wait3A_143 = arith.constant 0 : i32
      %dma_wait3A_144 = arith.constant 0 : i32
      %dma_wait3A_145 = tpu.memref_slice %arg9[%run_scoped3A_25, %dma_wait3A_143, %dma_wait3A_144] : memref<2x128x128xf32, #tpu.memory_space<vmem>> -> memref<1x128x128xf32, #tpu.memory_space<vmem>>
      %dma_wait3A_146 = tpu.memref_squeeze %dma_wait3A_145 : memref<1x128x128xf32, #tpu.memory_space<vmem>> -> memref<128x128xf32, #tpu.memory_space<vmem>>
      tpu.wait_dma2 semaphore(%run_scoped3A_122 : memref<!tpu.dma_semaphore, #tpu.memory_space<semaphore_mem>>) src(%dma_wait3A_146 : memref<128x128xf32, #tpu.memory_space<vmem>>) dst(%dma_wait3A_142 : memref<128x128xf32, #tpu.memory_space<vmem_shared>>)
      tpu.yield
    }) : () -> ()
    %add3A_26 = arith.constant 512 : i32
    %add3A_27 = arith.addi %mul3A_2, %add3A_26 : i32
    %run_scoped3A_28 = arith.constant 0 : i32
    "tpu.region"() ({
      %run_scoped3A_122 = tpu.sem_alloc : memref<!tpu.dma_semaphore, #tpu.memory_space<semaphore_mem>>
      %dma_start3A_123 = arith.constant 0 : i32
      %dma_start3A_124 = arith.constant 0 : i32
      %dma_start3A_125 = tpu.memref_slice %arg9[%run_scoped3A_28, %dma_start3A_123, %dma_start3A_124] : memref<2x128x128xf32, #tpu.memory_space<vmem>> -> memref<1x120x128xf32, #tpu.memory_space<vmem>>
      %dma_start3A_126 = tpu.memref_squeeze %dma_start3A_125 : memref<1x120x128xf32, #tpu.memory_space<vmem>> -> memref<120x128xf32, #tpu.memory_space<vmem>>
      %dma_start3A_127 = arith.constant 0 : i32
      %dma_start3A_128 = tpu.memref_slice %arg11[%add3A_27, %dma_start3A_127] : memref<10112x128xf32, #tpu.memory_space<vmem_shared>> -> memref<120x128xf32, #tpu.memory_space<vmem_shared>>
      %dma_start3A_129 = arith.constant 0 : i32
      %dma_start3A_130 = tpu.memref_slice %arg11[%add3A_27, %dma_start3A_129] : memref<10112x128xf32, #tpu.memory_space<vmem_shared>> -> memref<120x128xf32, #tpu.memory_space<vmem_shared>>
      %dma_start3A_131 = arith.constant 0 : i32
      %dma_start3A_132 = arith.constant 0 : i32
      %dma_start3A_133 = tpu.memref_slice %arg9[%run_scoped3A_28, %dma_start3A_131, %dma_start3A_132] : memref<2x128x128xf32, #tpu.memory_space<vmem>> -> memref<1x120x128xf32, #tpu.memory_space<vmem>>
      %dma_start3A_134 = tpu.memref_squeeze %dma_start3A_133 : memref<1x120x128xf32, #tpu.memory_space<vmem>> -> memref<120x128xf32, #tpu.memory_space<vmem>>
      tpu.enqueue_dma source(%dma_start3A_134 : memref<120x128xf32, #tpu.memory_space<vmem>>) target(%dma_start3A_130 : memref<120x128xf32, #tpu.memory_space<vmem_shared>>) target_semaphore(%run_scoped3A_122 : memref<!tpu.dma_semaphore, #tpu.memory_space<semaphore_mem>>)
      %dma_wait3A_135 = arith.constant 0 : i32
      %dma_wait3A_136 = arith.constant 0 : i32
      %dma_wait3A_137 = tpu.memref_slice %arg9[%run_scoped3A_28, %dma_wait3A_135, %dma_wait3A_136] : memref<2x128x128xf32, #tpu.memory_space<vmem>> -> memref<1x120x128xf32, #tpu.memory_space<vmem>>
      %dma_wait3A_138 = tpu.memref_squeeze %dma_wait3A_137 : memref<1x120x128xf32, #tpu.memory_space<vmem>> -> memref<120x128xf32, #tpu.memory_space<vmem>>
      %dma_wait3A_139 = arith.constant 0 : i32
      %dma_wait3A_140 = tpu.memref_slice %arg11[%add3A_27, %dma_wait3A_139] : memref<10112x128xf32, #tpu.memory_space<vmem_shared>> -> memref<120x128xf32, #tpu.memory_space<vmem_shared>>
      %dma_wait3A_141 = arith.constant 0 : i32
      %dma_wait3A_142 = tpu.memref_slice %arg11[%add3A_27, %dma_wait3A_141] : memref<10112x128xf32, #tpu.memory_space<vmem_shared>> -> memref<120x128xf32, #tpu.memory_space<vmem_shared>>
      %dma_wait3A_143 = arith.constant 0 : i32
      %dma_wait3A_144 = arith.constant 0 : i32
      %dma_wait3A_145 = tpu.memref_slice %arg9[%run_scoped3A_28, %dma_wait3A_143, %dma_wait3A_144] : memref<2x128x128xf32, #tpu.memory_space<vmem>> -> memref<1x120x128xf32, #tpu.memory_space<vmem>>
      %dma_wait3A_146 = tpu.memref_squeeze %dma_wait3A_145 : memref<1x120x128xf32, #tpu.memory_space<vmem>> -> memref<120x128xf32, #tpu.memory_space<vmem>>
      tpu.wait_dma2 semaphore(%run_scoped3A_122 : memref<!tpu.dma_semaphore, #tpu.memory_space<semaphore_mem>>) src(%dma_wait3A_146 : memref<120x128xf32, #tpu.memory_space<vmem>>) dst(%dma_wait3A_142 : memref<120x128xf32, #tpu.memory_space<vmem_shared>>)
      tpu.yield
    }) : () -> ()
    %barrier3A = arith.constant 0 : index
    tpu.barrier barrier_id(%barrier3A)
    %lt3A = arith.constant 2 : i32
    %lt3A_29 = arith.cmpi slt, %add3A, %lt3A : i32
    %jit3A = arith.constant 1 : i32
    %jit3A_30 = arith.constant 0 : i32
    %select_n3A = arith.select %lt3A_29, %jit3A, %jit3A_30 : i32
    %add3A_31 = arith.constant 39 : i32
    %add3A_32 = arith.addi %add3A_31, %select_n3A : i32
    %mul3A_33 = arith.constant 78 : i32
    %mul3A_34 = arith.muli %mul3A_33, %add3A : i32
    %min3A = arith.constant 2 : i32
    %min3A_35 = arith.minsi %add3A, %min3A : i32
    %mul3A_36 = arith.constant 2 : i32
    %mul3A_37 = arith.muli %mul3A_36, %min3A_35 : i32
    %add3A_38 = arith.addi %mul3A_34, %mul3A_37 : i32
    %gt3A = arith.constant 2 : i32
    %gt3A_39 = arith.cmpi sgt, %add3A, %gt3A : i32
    %jit3A_40 = arith.constant 1 : i32
    %jit3A_41 = arith.constant 0 : i32
    %select_n3A_42 = arith.select %gt3A_39, %jit3A_40, %jit3A_41 : i32
    %mul3A_43 = arith.constant 0 : i32
    %mul3A_44 = arith.muli %mul3A_43, %select_n3A_42 : i32
    %add3A_45 = arith.addi %add3A_38, %mul3A_44 : i32
    %broadcast_in_dim3A_46 = arith.constant 1.000000e+00 : f32
    %broadcast_in_dim3A_47 = vector.broadcast %broadcast_in_dim3A_46 : f32 to vector<16xf32>
    %add3A_48 = arith.constant 0 : i32
    %add3A_49 = arith.addi %add3A_45, %add3A_48 : i32
    %min3A_50 = arith.constant 2499 : i32
    %min3A_51 = arith.minsi %add3A_49, %min3A_50 : i32
    %mul3A_52 = arith.constant 128 : i32
    %mul3A_53 = arith.muli %min3A_51, %mul3A_52 : i32
    %run_scoped3A_54 = arith.constant 0 : i32
    "tpu.region"() ({
      %run_scoped3A_122 = tpu.sem_alloc : memref<!tpu.dma_semaphore, #tpu.memory_space<semaphore_mem>>
      %dma_start3A_123 = arith.constant 0 : i32
      %dma_start3A_124 = tpu.memref_slice %arg7[%run_scoped3A_54, %dma_start3A_123] : memref<2x128xi32, #tpu.memory_space<vmem>> -> memref<1x128xi32, #tpu.memory_space<vmem>>
      %dma_start3A_125 = tpu.memref_squeeze %dma_start3A_124 : memref<1x128xi32, #tpu.memory_space<vmem>> -> memref<128xi32, #tpu.memory_space<vmem>>
      %dma_start3A_126 = tpu.memref_slice %arg3[%mul3A_53] : memref<320000xi32, #tpu.memory_space<hbm>> -> memref<128xi32, #tpu.memory_space<hbm>>
      %dma_start3A_127 = arith.constant 0 : i32
      %dma_start3A_128 = tpu.memref_slice %arg7[%run_scoped3A_54, %dma_start3A_127] : memref<2x128xi32, #tpu.memory_space<vmem>> -> memref<1x128xi32, #tpu.memory_space<vmem>>
      %dma_start3A_129 = tpu.memref_squeeze %dma_start3A_128 : memref<1x128xi32, #tpu.memory_space<vmem>> -> memref<128xi32, #tpu.memory_space<vmem>>
      %dma_start3A_130 = tpu.memref_slice %arg3[%mul3A_53] : memref<320000xi32, #tpu.memory_space<hbm>> -> memref<128xi32, #tpu.memory_space<hbm>>
      tpu.enqueue_dma source(%dma_start3A_130 : memref<128xi32, #tpu.memory_space<hbm>>) target(%dma_start3A_129 : memref<128xi32, #tpu.memory_space<vmem>>) target_semaphore(%run_scoped3A_122 : memref<!tpu.dma_semaphore, #tpu.memory_space<semaphore_mem>>)
      %dma_wait3A_131 = arith.constant 0 : i32
      %dma_wait3A_132 = tpu.memref_slice %arg7[%run_scoped3A_54, %dma_wait3A_131] : memref<2x128xi32, #tpu.memory_space<vmem>> -> memref<1x128xi32, #tpu.memory_space<vmem>>
      %dma_wait3A_133 = tpu.memref_squeeze %dma_wait3A_132 : memref<1x128xi32, #tpu.memory_space<vmem>> -> memref<128xi32, #tpu.memory_space<vmem>>
      %dma_wait3A_134 = tpu.memref_slice %arg3[%mul3A_53] : memref<320000xi32, #tpu.memory_space<hbm>> -> memref<128xi32, #tpu.memory_space<hbm>>
      %dma_wait3A_135 = arith.constant 0 : i32
      %dma_wait3A_136 = tpu.memref_slice %arg7[%run_scoped3A_54, %dma_wait3A_135] : memref<2x128xi32, #tpu.memory_space<vmem>> -> memref<1x128xi32, #tpu.memory_space<vmem>>
      %dma_wait3A_137 = tpu.memref_squeeze %dma_wait3A_136 : memref<1x128xi32, #tpu.memory_space<vmem>> -> memref<128xi32, #tpu.memory_space<vmem>>
      %dma_wait3A_138 = tpu.memref_slice %arg3[%mul3A_53] : memref<320000xi32, #tpu.memory_space<hbm>> -> memref<128xi32, #tpu.memory_space<hbm>>
      tpu.wait_dma2 semaphore(%run_scoped3A_122 : memref<!tpu.dma_semaphore, #tpu.memory_space<semaphore_mem>>) src(%dma_wait3A_138 : memref<128xi32, #tpu.memory_space<hbm>>) dst(%dma_wait3A_137 : memref<128xi32, #tpu.memory_space<vmem>>)
      tpu.yield
    }) : () -> ()
    %run_scoped3A_55 = arith.constant 0 : i32
    "tpu.region"() ({
      %run_scoped3A_122 = tpu.sem_alloc : memref<!tpu.dma_semaphore, #tpu.memory_space<semaphore_mem>>
      %dma_start3A_123 = arith.constant 0 : i32
      %dma_start3A_124 = tpu.memref_slice %arg8[%run_scoped3A_55, %dma_start3A_123] : memref<2x128xi32, #tpu.memory_space<vmem>> -> memref<1x128xi32, #tpu.memory_space<vmem>>
      %dma_start3A_125 = tpu.memref_squeeze %dma_start3A_124 : memref<1x128xi32, #tpu.memory_space<vmem>> -> memref<128xi32, #tpu.memory_space<vmem>>
      %dma_start3A_126 = tpu.memref_slice %arg4[%mul3A_53] : memref<320000xi32, #tpu.memory_space<hbm>> -> memref<128xi32, #tpu.memory_space<hbm>>
      %dma_start3A_127 = arith.constant 0 : i32
      %dma_start3A_128 = tpu.memref_slice %arg8[%run_scoped3A_55, %dma_start3A_127] : memref<2x128xi32, #tpu.memory_space<vmem>> -> memref<1x128xi32, #tpu.memory_space<vmem>>
      %dma_start3A_129 = tpu.memref_squeeze %dma_start3A_128 : memref<1x128xi32, #tpu.memory_space<vmem>> -> memref<128xi32, #tpu.memory_space<vmem>>
      %dma_start3A_130 = tpu.memref_slice %arg4[%mul3A_53] : memref<320000xi32, #tpu.memory_space<hbm>> -> memref<128xi32, #tpu.memory_space<hbm>>
      tpu.enqueue_dma source(%dma_start3A_130 : memref<128xi32, #tpu.memory_space<hbm>>) target(%dma_start3A_129 : memref<128xi32, #tpu.memory_space<vmem>>) target_semaphore(%run_scoped3A_122 : memref<!tpu.dma_semaphore, #tpu.memory_space<semaphore_mem>>)
      %dma_wait3A_131 = arith.constant 0 : i32
      %dma_wait3A_132 = tpu.memref_slice %arg8[%run_scoped3A_55, %dma_wait3A_131] : memref<2x128xi32, #tpu.memory_space<vmem>> -> memref<1x128xi32, #tpu.memory_space<vmem>>
      %dma_wait3A_133 = tpu.memref_squeeze %dma_wait3A_132 : memref<1x128xi32, #tpu.memory_space<vmem>> -> memref<128xi32, #tpu.memory_space<vmem>>
      %dma_wait3A_134 = tpu.memref_slice %arg4[%mul3A_53] : memref<320000xi32, #tpu.memory_space<hbm>> -> memref<128xi32, #tpu.memory_space<hbm>>
      %dma_wait3A_135 = arith.constant 0 : i32
      %dma_wait3A_136 = tpu.memref_slice %arg8[%run_scoped3A_55, %dma_wait3A_135] : memref<2x128xi32, #tpu.memory_space<vmem>> -> memref<1x128xi32, #tpu.memory_space<vmem>>
      %dma_wait3A_137 = tpu.memref_squeeze %dma_wait3A_136 : memref<1x128xi32, #tpu.memory_space<vmem>> -> memref<128xi32, #tpu.memory_space<vmem>>
      %dma_wait3A_138 = tpu.memref_slice %arg4[%mul3A_53] : memref<320000xi32, #tpu.memory_space<hbm>> -> memref<128xi32, #tpu.memory_space<hbm>>
      tpu.wait_dma2 semaphore(%run_scoped3A_122 : memref<!tpu.dma_semaphore, #tpu.memory_space<semaphore_mem>>) src(%dma_wait3A_138 : memref<128xi32, #tpu.memory_space<hbm>>) dst(%dma_wait3A_137 : memref<128xi32, #tpu.memory_space<vmem>>)
      tpu.yield
    }) : () -> ()
    %dma_start3A = arith.constant 0 : i32
    %dma_start3A_56 = arith.constant 0 : i32
    %dma_start3A_57 = arith.constant 0 : i32
    %dma_start3A_58 = arith.constant 0 : i32
    %dma_start3A_59 = tpu.memref_slice %arg9[%dma_start3A_56, %dma_start3A_57, %dma_start3A_58] : memref<2x128x128xf32, #tpu.memory_space<vmem>> -> memref<1x128x128xf32, #tpu.memory_space<vmem>>
    %dma_start3A_60 = tpu.memref_squeeze %dma_start3A_59 : memref<1x128x128xf32, #tpu.memory_space<vmem>> -> memref<128x128xf32, #tpu.memory_space<vmem>>
    %dma_start3A_61 = arith.constant 0 : i32
    %dma_start3A_62 = tpu.memref_slice %arg7[%dma_start3A, %dma_start3A_61] : memref<2x128xi32, #tpu.memory_space<vmem>> -> memref<1x128xi32, #tpu.memory_space<vmem>>
    %dma_start3A_63 = tpu.memref_squeeze %dma_start3A_62 : memref<1x128xi32, #tpu.memory_space<vmem>> -> memref<128xi32, #tpu.memory_space<vmem>>
    %dma_start3A_64 = arith.constant 0 : i32
    %dma_start3A_65 = arith.constant 0 : i32
    %dma_start3A_66 = tpu.memref_slice %arg2[%dma_start3A_64, %dma_start3A_65] : memref<10000x128xf32, #tpu.memory_space<hbm>> -> memref<10000x128xf32, #tpu.memory_space<hbm>>
    tpu.enqueue_indirect_dma source(%dma_start3A_66 : memref<10000x128xf32, #tpu.memory_space<hbm>>) target(%dma_start3A_60 : memref<128x128xf32, #tpu.memory_space<vmem>>) offsets(%dma_start3A_63 : memref<128xi32, #tpu.memory_space<vmem>>) semaphore(%arg12 : memref<!tpu.dma_semaphore, #tpu.memory_space<semaphore_mem>>)
    %add3A_67 = arith.constant 1 : i32
    %add3A_68 = arith.addi %add3A_45, %add3A_67 : i32
    %min3A_69 = arith.constant 2499 : i32
    %min3A_70 = arith.minsi %add3A_68, %min3A_69 : i32
    %mul3A_71 = arith.constant 128 : i32
    %mul3A_72 = arith.muli %min3A_70, %mul3A_71 : i32
    %run_scoped3A_73 = arith.constant 1 : i32
    "tpu.region"() ({
      %run_scoped3A_122 = tpu.sem_alloc : memref<!tpu.dma_semaphore, #tpu.memory_space<semaphore_mem>>
      %dma_start3A_123 = arith.constant 0 : i32
      %dma_start3A_124 = tpu.memref_slice %arg7[%run_scoped3A_73, %dma_start3A_123] : memref<2x128xi32, #tpu.memory_space<vmem>> -> memref<1x128xi32, #tpu.memory_space<vmem>>
      %dma_start3A_125 = tpu.memref_squeeze %dma_start3A_124 : memref<1x128xi32, #tpu.memory_space<vmem>> -> memref<128xi32, #tpu.memory_space<vmem>>
      %dma_start3A_126 = tpu.memref_slice %arg3[%mul3A_72] : memref<320000xi32, #tpu.memory_space<hbm>> -> memref<128xi32, #tpu.memory_space<hbm>>
      %dma_start3A_127 = arith.constant 0 : i32
      %dma_start3A_128 = tpu.memref_slice %arg7[%run_scoped3A_73, %dma_start3A_127] : memref<2x128xi32, #tpu.memory_space<vmem>> -> memref<1x128xi32, #tpu.memory_space<vmem>>
      %dma_start3A_129 = tpu.memref_squeeze %dma_start3A_128 : memref<1x128xi32, #tpu.memory_space<vmem>> -> memref<128xi32, #tpu.memory_space<vmem>>
      %dma_start3A_130 = tpu.memref_slice %arg3[%mul3A_72] : memref<320000xi32, #tpu.memory_space<hbm>> -> memref<128xi32, #tpu.memory_space<hbm>>
      tpu.enqueue_dma source(%dma_start3A_130 : memref<128xi32, #tpu.memory_space<hbm>>) target(%dma_start3A_129 : memref<128xi32, #tpu.memory_space<vmem>>) target_semaphore(%run_scoped3A_122 : memref<!tpu.dma_semaphore, #tpu.memory_space<semaphore_mem>>)
      %dma_wait3A_131 = arith.constant 0 : i32
      %dma_wait3A_132 = tpu.memref_slice %arg7[%run_scoped3A_73, %dma_wait3A_131] : memref<2x128xi32, #tpu.memory_space<vmem>> -> memref<1x128xi32, #tpu.memory_space<vmem>>
      %dma_wait3A_133 = tpu.memref_squeeze %dma_wait3A_132 : memref<1x128xi32, #tpu.memory_space<vmem>> -> memref<128xi32, #tpu.memory_space<vmem>>
      %dma_wait3A_134 = tpu.memref_slice %arg3[%mul3A_72] : memref<320000xi32, #tpu.memory_space<hbm>> -> memref<128xi32, #tpu.memory_space<hbm>>
      %dma_wait3A_135 = arith.constant 0 : i32
      %dma_wait3A_136 = tpu.memref_slice %arg7[%run_scoped3A_73, %dma_wait3A_135] : memref<2x128xi32, #tpu.memory_space<vmem>> -> memref<1x128xi32, #tpu.memory_space<vmem>>
      %dma_wait3A_137 = tpu.memref_squeeze %dma_wait3A_136 : memref<1x128xi32, #tpu.memory_space<vmem>> -> memref<128xi32, #tpu.memory_space<vmem>>
      %dma_wait3A_138 = tpu.memref_slice %arg3[%mul3A_72] : memref<320000xi32, #tpu.memory_space<hbm>> -> memref<128xi32, #tpu.memory_space<hbm>>
      tpu.wait_dma2 semaphore(%run_scoped3A_122 : memref<!tpu.dma_semaphore, #tpu.memory_space<semaphore_mem>>) src(%dma_wait3A_138 : memref<128xi32, #tpu.memory_space<hbm>>) dst(%dma_wait3A_137 : memref<128xi32, #tpu.memory_space<vmem>>)
      tpu.yield
    }) : () -> ()
    %run_scoped3A_74 = arith.constant 1 : i32
    "tpu.region"() ({
      %run_scoped3A_122 = tpu.sem_alloc : memref<!tpu.dma_semaphore, #tpu.memory_space<semaphore_mem>>
      %dma_start3A_123 = arith.constant 0 : i32
      %dma_start3A_124 = tpu.memref_slice %arg8[%run_scoped3A_74, %dma_start3A_123] : memref<2x128xi32, #tpu.memory_space<vmem>> -> memref<1x128xi32, #tpu.memory_space<vmem>>
      %dma_start3A_125 = tpu.memref_squeeze %dma_start3A_124 : memref<1x128xi32, #tpu.memory_space<vmem>> -> memref<128xi32, #tpu.memory_space<vmem>>
      %dma_start3A_126 = tpu.memref_slice %arg4[%mul3A_72] : memref<320000xi32, #tpu.memory_space<hbm>> -> memref<128xi32, #tpu.memory_space<hbm>>
      %dma_start3A_127 = arith.constant 0 : i32
      %dma_start3A_128 = tpu.memref_slice %arg8[%run_scoped3A_74, %dma_start3A_127] : memref<2x128xi32, #tpu.memory_space<vmem>> -> memref<1x128xi32, #tpu.memory_space<vmem>>
      %dma_start3A_129 = tpu.memref_squeeze %dma_start3A_128 : memref<1x128xi32, #tpu.memory_space<vmem>> -> memref<128xi32, #tpu.memory_space<vmem>>
      %dma_start3A_130 = tpu.memref_slice %arg4[%mul3A_72] : memref<320000xi32, #tpu.memory_space<hbm>> -> memref<128xi32, #tpu.memory_space<hbm>>
      tpu.enqueue_dma source(%dma_start3A_130 : memref<128xi32, #tpu.memory_space<hbm>>) target(%dma_start3A_129 : memref<128xi32, #tpu.memory_space<vmem>>) target_semaphore(%run_scoped3A_122 : memref<!tpu.dma_semaphore, #tpu.memory_space<semaphore_mem>>)
      %dma_wait3A_131 = arith.constant 0 : i32
      %dma_wait3A_132 = tpu.memref_slice %arg8[%run_scoped3A_74, %dma_wait3A_131] : memref<2x128xi32, #tpu.memory_space<vmem>> -> memref<1x128xi32, #tpu.memory_space<vmem>>
      %dma_wait3A_133 = tpu.memref_squeeze %dma_wait3A_132 : memref<1x128xi32, #tpu.memory_space<vmem>> -> memref<128xi32, #tpu.memory_space<vmem>>
      %dma_wait3A_134 = tpu.memref_slice %arg4[%mul3A_72] : memref<320000xi32, #tpu.memory_space<hbm>> -> memref<128xi32, #tpu.memory_space<hbm>>
      %dma_wait3A_135 = arith.constant 0 : i32
      %dma_wait3A_136 = tpu.memref_slice %arg8[%run_scoped3A_74, %dma_wait3A_135] : memref<2x128xi32, #tpu.memory_space<vmem>> -> memref<1x128xi32, #tpu.memory_space<vmem>>
      %dma_wait3A_137 = tpu.memref_squeeze %dma_wait3A_136 : memref<1x128xi32, #tpu.memory_space<vmem>> -> memref<128xi32, #tpu.memory_space<vmem>>
      %dma_wait3A_138 = tpu.memref_slice %arg4[%mul3A_72] : memref<320000xi32, #tpu.memory_space<hbm>> -> memref<128xi32, #tpu.memory_space<hbm>>
      tpu.wait_dma2 semaphore(%run_scoped3A_122 : memref<!tpu.dma_semaphore, #tpu.memory_space<semaphore_mem>>) src(%dma_wait3A_138 : memref<128xi32, #tpu.memory_space<hbm>>) dst(%dma_wait3A_137 : memref<128xi32, #tpu.memory_space<vmem>>)
      tpu.yield
    }) : () -> ()
    %dma_start3A_75 = arith.constant 1 : i32
    %dma_start3A_76 = arith.constant 1 : i32
    %dma_start3A_77 = arith.constant 0 : i32
    %dma_start3A_78 = arith.constant 0 : i32
    %dma_start3A_79 = tpu.memref_slice %arg9[%dma_start3A_76, %dma_start3A_77, %dma_start3A_78] : memref<2x128x128xf32, #tpu.memory_space<vmem>> -> memref<1x128x128xf32, #tpu.memory_space<vmem>>
    %dma_start3A_80 = tpu.memref_squeeze %dma_start3A_79 : memref<1x128x128xf32, #tpu.memory_space<vmem>> -> memref<128x128xf32, #tpu.memory_space<vmem>>
    %dma_start3A_81 = arith.constant 0 : i32
    %dma_start3A_82 = tpu.memref_slice %arg7[%dma_start3A_75, %dma_start3A_81] : memref<2x128xi32, #tpu.memory_space<vmem>> -> memref<1x128xi32, #tpu.memory_space<vmem>>
    %dma_start3A_83 = tpu.memref_squeeze %dma_start3A_82 : memref<1x128xi32, #tpu.memory_space<vmem>> -> memref<128xi32, #tpu.memory_space<vmem>>
    %dma_start3A_84 = arith.constant 0 : i32
    %dma_start3A_85 = arith.constant 0 : i32
    %dma_start3A_86 = tpu.memref_slice %arg2[%dma_start3A_84, %dma_start3A_85] : memref<10000x128xf32, #tpu.memory_space<hbm>> -> memref<10000x128xf32, #tpu.memory_space<hbm>>
    tpu.enqueue_indirect_dma source(%dma_start3A_86 : memref<10000x128xf32, #tpu.memory_space<hbm>>) target(%dma_start3A_80 : memref<128x128xf32, #tpu.memory_space<vmem>>) offsets(%dma_start3A_83 : memref<128xi32, #tpu.memory_space<vmem>>) semaphore(%arg13 : memref<!tpu.dma_semaphore, #tpu.memory_space<semaphore_mem>>)
    %while3A = arith.constant 0 : i32
    %while3A_87 = arith.constant 0 : i32
    %while3A_88 = arith.subi %add3A_32, %while3A_87 : i32
    %while3A_89 = arith.addi %while3A_87, %while3A_88 : i32
    %while3A_90 = arith.constant 1 : i32
    %while3A_91 = arith.divsi %while3A_88, %while3A_90 : i32
    %while3A_92 = arith.muli %while3A_91, %while3A_90 : i32
    %while3A_93 = arith.addi %while3A_87, %while3A_92 : i32
    %while3A_94 = arith.constant 1 : i32
    scf.for %while3A_122 = %while3A_87 to %while3A_93 step %while3A_94  : i32 {
      %dma_wait3A_123 = arith.constant 0 : i32
      %dma_wait3A_124 = arith.constant 0 : i32
      %dma_wait3A_125 = arith.constant 0 : i32
      %dma_wait3A_126 = arith.constant 0 : i32
      %dma_wait3A_127 = tpu.memref_slice %arg9[%dma_wait3A_124, %dma_wait3A_125, %dma_wait3A_126] : memref<2x128x128xf32, #tpu.memory_space<vmem>> -> memref<1x128x128xf32, #tpu.memory_space<vmem>>
      %dma_wait3A_128 = tpu.memref_squeeze %dma_wait3A_127 : memref<1x128x128xf32, #tpu.memory_space<vmem>> -> memref<128x128xf32, #tpu.memory_space<vmem>>
      %dma_wait3A_129 = arith.constant 0 : i32
      %dma_wait3A_130 = tpu.memref_slice %arg7[%dma_wait3A_123, %dma_wait3A_129] : memref<2x128xi32, #tpu.memory_space<vmem>> -> memref<1x128xi32, #tpu.memory_space<vmem>>
      %dma_wait3A_131 = tpu.memref_squeeze %dma_wait3A_130 : memref<1x128xi32, #tpu.memory_space<vmem>> -> memref<128xi32, #tpu.memory_space<vmem>>
      %dma_wait3A_132 = arith.constant 0 : i32
      %dma_wait3A_133 = arith.constant 0 : i32
      %dma_wait3A_134 = tpu.memref_slice %arg2[%dma_wait3A_132, %dma_wait3A_133] : memref<10000x128xf32, #tpu.memory_space<hbm>> -> memref<10000x128xf32, #tpu.memory_space<hbm>>
      tpu.wait_indirect_dma semaphore(%arg12 : memref<!tpu.dma_semaphore, #tpu.memory_space<semaphore_mem>>) src(%dma_wait3A_134 : memref<10000x128xf32, #tpu.memory_space<hbm>>) dst(%dma_wait3A_128 : memref<128x128xf32, #tpu.memory_space<vmem>>)
      %dma_start3A_135 = arith.constant 0 : i32
      %dma_start3A_136 = arith.constant 0 : i32
      %dma_start3A_137 = arith.constant 0 : i32
      %dma_start3A_138 = arith.constant 0 : i32
      %dma_start3A_139 = tpu.memref_slice %arg9[%dma_start3A_135, %dma_start3A_137, %dma_start3A_138] : memref<2x128x128xf32, #tpu.memory_space<vmem>> -> memref<1x128x128xf32, #tpu.memory_space<vmem>>
      %dma_start3A_140 = tpu.memref_squeeze %dma_start3A_139 : memref<1x128x128xf32, #tpu.memory_space<vmem>> -> memref<128x128xf32, #tpu.memory_space<vmem>>
      %dma_start3A_141 = arith.constant 0 : i32
      %dma_start3A_142 = tpu.memref_slice %arg8[%dma_start3A_136, %dma_start3A_141] : memref<2x128xi32, #tpu.memory_space<vmem>> -> memref<1x128xi32, #tpu.memory_space<vmem>>
      %dma_start3A_143 = tpu.memref_squeeze %dma_start3A_142 : memref<1x128xi32, #tpu.memory_space<vmem>> -> memref<128xi32, #tpu.memory_space<vmem>>
      %dma_start3A_144 = arith.constant 0 : i32
      %dma_start3A_145 = arith.constant 0 : i32
      %dma_start3A_146 = tpu.memref_slice %arg11[%dma_start3A_144, %dma_start3A_145] : memref<10112x128xf32, #tpu.memory_space<vmem_shared>> -> memref<10112x128xf32, #tpu.memory_space<vmem_shared>>
      tpu.enqueue_indirect_dma source(%dma_start3A_140 : memref<128x128xf32, #tpu.memory_space<vmem>>) target(%dma_start3A_146 : memref<10112x128xf32, #tpu.memory_space<vmem_shared>>) offsets(%dma_start3A_143 : memref<128xi32, #tpu.memory_space<vmem>>) semaphore(%arg14 : memref<!tpu.dma_semaphore, #tpu.memory_space<semaphore_mem>>) {add = true}
      %scan3A_147 = arith.constant 0 : i32
      %scan3A_148 = arith.constant 0 : i32
      %scan3A_149 = arith.constant 8 : i32
      %scan3A_150 = arith.addi %scan3A_148, %scan3A_149 : i32
      %scan3A_151 = arith.constant 1 : i32
      scf.for %scan3A_257 = %scan3A_148 to %scan3A_150 step %scan3A_151  : i32 {
        %mul3A_258 = arith.constant 16 : i32
        %mul3A_259 = arith.muli %scan3A_257, %mul3A_258 : i32
        %get3A = arith.constant 0 : i32
        %get3A_260 = arith.index_cast %get3A : i32 to index
        %get3A_261 = arith.index_cast %mul3A_259 : i32 to index
        %get3A_262 = tpu.vector_load %arg8[%get3A_260, %get3A_261] {strides = array<i32>} : memref<2x128xi32, #tpu.memory_space<vmem>>, vector<16xi32>,
        tpu.vector_store_idx %arg10[%get3A_262], %broadcast_in_dim3A_47 {add = true} : memref<10112xf32, #tpu.memory_space<vmem>>[vector<16xi32>], vector<16xf32>,
      }
      %scan3A_152 = arith.constant 8 : i32
      %dma_wait3A_153 = arith.constant 1 : i32
      %dma_wait3A_154 = arith.constant 1 : i32
      %dma_wait3A_155 = arith.constant 0 : i32
      %dma_wait3A_156 = arith.constant 0 : i32
      %dma_wait3A_157 = tpu.memref_slice %arg9[%dma_wait3A_154, %dma_wait3A_155, %dma_wait3A_156] : memref<2x128x128xf32, #tpu.memory_space<vmem>> -> memref<1x128x128xf32, #tpu.memory_space<vmem>>
      %dma_wait3A_158 = tpu.memref_squeeze %dma_wait3A_157 : memref<1x128x128xf32, #tpu.memory_space<vmem>> -> memref<128x128xf32, #tpu.memory_space<vmem>>
      %dma_wait3A_159 = arith.constant 0 : i32
      %dma_wait3A_160 = tpu.memref_slice %arg7[%dma_wait3A_153, %dma_wait3A_159] : memref<2x128xi32, #tpu.memory_space<vmem>> -> memref<1x128xi32, #tpu.memory_space<vmem>>
      %dma_wait3A_161 = tpu.memref_squeeze %dma_wait3A_160 : memref<1x128xi32, #tpu.memory_space<vmem>> -> memref<128xi32, #tpu.memory_space<vmem>>
      %dma_wait3A_162 = arith.constant 0 : i32
      %dma_wait3A_163 = arith.constant 0 : i32
      %dma_wait3A_164 = tpu.memref_slice %arg2[%dma_wait3A_162, %dma_wait3A_163] : memref<10000x128xf32, #tpu.memory_space<hbm>> -> memref<10000x128xf32, #tpu.memory_space<hbm>>
      tpu.wait_indirect_dma semaphore(%arg13 : memref<!tpu.dma_semaphore, #tpu.memory_space<semaphore_mem>>) src(%dma_wait3A_164 : memref<10000x128xf32, #tpu.memory_space<hbm>>) dst(%dma_wait3A_158 : memref<128x128xf32, #tpu.memory_space<vmem>>)
      %dma_start3A_165 = arith.constant 1 : i32
      %dma_start3A_166 = arith.constant 1 : i32
      %dma_start3A_167 = arith.constant 0 : i32
      %dma_start3A_168 = arith.constant 0 : i32
      %dma_start3A_169 = tpu.memref_slice %arg9[%dma_start3A_165, %dma_start3A_167, %dma_start3A_168] : memref<2x128x128xf32, #tpu.memory_space<vmem>> -> memref<1x128x128xf32, #tpu.memory_space<vmem>>
      %dma_start3A_170 = tpu.memref_squeeze %dma_start3A_169 : memref<1x128x128xf32, #tpu.memory_space<vmem>> -> memref<128x128xf32, #tpu.memory_space<vmem>>
      %dma_start3A_171 = arith.constant 0 : i32
      %dma_start3A_172 = tpu.memref_slice %arg8[%dma_start3A_166, %dma_start3A_171] : memref<2x128xi32, #tpu.memory_space<vmem>> -> memref<1x128xi32, #tpu.memory_space<vmem>>
      %dma_start3A_173 = tpu.memref_squeeze %dma_start3A_172 : memref<1x128xi32, #tpu.memory_space<vmem>> -> memref<128xi32, #tpu.memory_space<vmem>>
      %dma_start3A_174 = arith.constant 0 : i32
      %dma_start3A_175 = arith.constant 0 : i32
      %dma_start3A_176 = tpu.memref_slice %arg11[%dma_start3A_174, %dma_start3A_175] : memref<10112x128xf32, #tpu.memory_space<vmem_shared>> -> memref<10112x128xf32, #tpu.memory_space<vmem_shared>>
      tpu.enqueue_indirect_dma source(%dma_start3A_170 : memref<128x128xf32, #tpu.memory_space<vmem>>) target(%dma_start3A_176 : memref<10112x128xf32, #tpu.memory_space<vmem_shared>>) offsets(%dma_start3A_173 : memref<128xi32, #tpu.memory_space<vmem>>) semaphore(%arg15 : memref<!tpu.dma_semaphore, #tpu.memory_space<semaphore_mem>>) {add = true}
      %scan3A_177 = arith.constant 0 : i32
      %scan3A_178 = arith.constant 0 : i32
      %scan3A_179 = arith.constant 8 : i32
      %scan3A_180 = arith.addi %scan3A_178, %scan3A_179 : i32
      %scan3A_181 = arith.constant 1 : i32
      scf.for %scan3A_257 = %scan3A_178 to %scan3A_180 step %scan3A_181  : i32 {
        %mul3A_258 = arith.constant 16 : i32
        %mul3A_259 = arith.muli %scan3A_257, %mul3A_258 : i32
        %get3A = arith.constant 1 : i32
        %get3A_260 = arith.index_cast %get3A : i32 to index
        %get3A_261 = arith.index_cast %mul3A_259 : i32 to index
        %get3A_262 = tpu.vector_load %arg8[%get3A_260, %get3A_261] {strides = array<i32>} : memref<2x128xi32, #tpu.memory_space<vmem>>, vector<16xi32>,
        tpu.vector_store_idx %arg10[%get3A_262], %broadcast_in_dim3A_47 {add = true} : memref<10112xf32, #tpu.memory_space<vmem>>[vector<16xi32>], vector<16xf32>,
      }
      %scan3A_182 = arith.constant 8 : i32
      %dma_wait3A_183 = arith.constant 0 : i32
      %dma_wait3A_184 = arith.constant 0 : i32
      %dma_wait3A_185 = arith.constant 0 : i32
      %dma_wait3A_186 = arith.constant 0 : i32
      %dma_wait3A_187 = tpu.memref_slice %arg9[%dma_wait3A_183, %dma_wait3A_185, %dma_wait3A_186] : memref<2x128x128xf32, #tpu.memory_space<vmem>> -> memref<1x128x128xf32, #tpu.memory_space<vmem>>
      %dma_wait3A_188 = tpu.memref_squeeze %dma_wait3A_187 : memref<1x128x128xf32, #tpu.memory_space<vmem>> -> memref<128x128xf32, #tpu.memory_space<vmem>>
      %dma_wait3A_189 = arith.constant 0 : i32
      %dma_wait3A_190 = tpu.memref_slice %arg8[%dma_wait3A_184, %dma_wait3A_189] : memref<2x128xi32, #tpu.memory_space<vmem>> -> memref<1x128xi32, #tpu.memory_space<vmem>>
      %dma_wait3A_191 = tpu.memref_squeeze %dma_wait3A_190 : memref<1x128xi32, #tpu.memory_space<vmem>> -> memref<128xi32, #tpu.memory_space<vmem>>
      %dma_wait3A_192 = arith.constant 0 : i32
      %dma_wait3A_193 = arith.constant 0 : i32
      %dma_wait3A_194 = tpu.memref_slice %arg11[%dma_wait3A_192, %dma_wait3A_193] : memref<10112x128xf32, #tpu.memory_space<vmem_shared>> -> memref<10112x128xf32, #tpu.memory_space<vmem_shared>>
      tpu.wait_indirect_dma semaphore(%arg14 : memref<!tpu.dma_semaphore, #tpu.memory_space<semaphore_mem>>) src(%dma_wait3A_188 : memref<128x128xf32, #tpu.memory_space<vmem>>) dst(%dma_wait3A_194 : memref<10112x128xf32, #tpu.memory_space<vmem_shared>>)
      %add3A_195 = arith.constant 1 : i32
      %add3A_196 = arith.addi %while3A_122, %add3A_195 : i32
      %mul3A_197 = arith.constant 2 : i32
      %mul3A_198 = arith.muli %add3A_196, %mul3A_197 : i32
      %add3A_199 = arith.constant 0 : i32
      %add3A_200 = arith.addi %mul3A_198, %add3A_199 : i32
      %add3A_201 = arith.addi %add3A_45, %add3A_200 : i32
      %min3A_202 = arith.constant 2499 : i32
      %min3A_203 = arith.minsi %add3A_201, %min3A_202 : i32
      %mul3A_204 = arith.constant 128 : i32
      %mul3A_205 = arith.muli %min3A_203, %mul3A_204 : i32
      %run_scoped3A_206 = arith.constant 0 : i32
      "tpu.region"() ({
        %run_scoped3A_257 = tpu.sem_alloc : memref<!tpu.dma_semaphore, #tpu.memory_space<semaphore_mem>>
        %dma_start3A_258 = arith.constant 0 : i32
        %dma_start3A_259 = tpu.memref_slice %arg7[%run_scoped3A_206, %dma_start3A_258] : memref<2x128xi32, #tpu.memory_space<vmem>> -> memref<1x128xi32, #tpu.memory_space<vmem>>
        %dma_start3A_260 = tpu.memref_squeeze %dma_start3A_259 : memref<1x128xi32, #tpu.memory_space<vmem>> -> memref<128xi32, #tpu.memory_space<vmem>>
        %dma_start3A_261 = tpu.memref_slice %arg3[%mul3A_205] : memref<320000xi32, #tpu.memory_space<hbm>> -> memref<128xi32, #tpu.memory_space<hbm>>
        %dma_start3A_262 = arith.constant 0 : i32
        %dma_start3A_263 = tpu.memref_slice %arg7[%run_scoped3A_206, %dma_start3A_262] : memref<2x128xi32, #tpu.memory_space<vmem>> -> memref<1x128xi32, #tpu.memory_space<vmem>>
        %dma_start3A_264 = tpu.memref_squeeze %dma_start3A_263 : memref<1x128xi32, #tpu.memory_space<vmem>> -> memref<128xi32, #tpu.memory_space<vmem>>
        %dma_start3A_265 = tpu.memref_slice %arg3[%mul3A_205] : memref<320000xi32, #tpu.memory_space<hbm>> -> memref<128xi32, #tpu.memory_space<hbm>>
        tpu.enqueue_dma source(%dma_start3A_265 : memref<128xi32, #tpu.memory_space<hbm>>) target(%dma_start3A_264 : memref<128xi32, #tpu.memory_space<vmem>>) target_semaphore(%run_scoped3A_257 : memref<!tpu.dma_semaphore, #tpu.memory_space<semaphore_mem>>)
        %dma_wait3A_266 = arith.constant 0 : i32
        %dma_wait3A_267 = tpu.memref_slice %arg7[%run_scoped3A_206, %dma_wait3A_266] : memref<2x128xi32, #tpu.memory_space<vmem>> -> memref<1x128xi32, #tpu.memory_space<vmem>>
        %dma_wait3A_268 = tpu.memref_squeeze %dma_wait3A_267 : memref<1x128xi32, #tpu.memory_space<vmem>> -> memref<128xi32, #tpu.memory_space<vmem>>
        %dma_wait3A_269 = tpu.memref_slice %arg3[%mul3A_205] : memref<320000xi32, #tpu.memory_space<hbm>> -> memref<128xi32, #tpu.memory_space<hbm>>
        %dma_wait3A_270 = arith.constant 0 : i32
        %dma_wait3A_271 = tpu.memref_slice %arg7[%run_scoped3A_206, %dma_wait3A_270] : memref<2x128xi32, #tpu.memory_space<vmem>> -> memref<1x128xi32, #tpu.memory_space<vmem>>
        %dma_wait3A_272 = tpu.memref_squeeze %dma_wait3A_271 : memref<1x128xi32, #tpu.memory_space<vmem>> -> memref<128xi32, #tpu.memory_space<vmem>>
        %dma_wait3A_273 = tpu.memref_slice %arg3[%mul3A_205] : memref<320000xi32, #tpu.memory_space<hbm>> -> memref<128xi32, #tpu.memory_space<hbm>>
        tpu.wait_dma2 semaphore(%run_scoped3A_257 : memref<!tpu.dma_semaphore, #tpu.memory_space<semaphore_mem>>) src(%dma_wait3A_273 : memref<128xi32, #tpu.memory_space<hbm>>) dst(%dma_wait3A_272 : memref<128xi32, #tpu.memory_space<vmem>>)
        tpu.yield
      }) : () -> ()
      %run_scoped3A_207 = arith.constant 0 : i32
      "tpu.region"() ({
        %run_scoped3A_257 = tpu.sem_alloc : memref<!tpu.dma_semaphore, #tpu.memory_space<semaphore_mem>>
        %dma_start3A_258 = arith.constant 0 : i32
        %dma_start3A_259 = tpu.memref_slice %arg8[%run_scoped3A_207, %dma_start3A_258] : memref<2x128xi32, #tpu.memory_space<vmem>> -> memref<1x128xi32, #tpu.memory_space<vmem>>
        %dma_start3A_260 = tpu.memref_squeeze %dma_start3A_259 : memref<1x128xi32, #tpu.memory_space<vmem>> -> memref<128xi32, #tpu.memory_space<vmem>>
        %dma_start3A_261 = tpu.memref_slice %arg4[%mul3A_205] : memref<320000xi32, #tpu.memory_space<hbm>> -> memref<128xi32, #tpu.memory_space<hbm>>
        %dma_start3A_262 = arith.constant 0 : i32
        %dma_start3A_263 = tpu.memref_slice %arg8[%run_scoped3A_207, %dma_start3A_262] : memref<2x128xi32, #tpu.memory_space<vmem>> -> memref<1x128xi32, #tpu.memory_space<vmem>>
        %dma_start3A_264 = tpu.memref_squeeze %dma_start3A_263 : memref<1x128xi32, #tpu.memory_space<vmem>> -> memref<128xi32, #tpu.memory_space<vmem>>
        %dma_start3A_265 = tpu.memref_slice %arg4[%mul3A_205] : memref<320000xi32, #tpu.memory_space<hbm>> -> memref<128xi32, #tpu.memory_space<hbm>>
        tpu.enqueue_dma source(%dma_start3A_265 : memref<128xi32, #tpu.memory_space<hbm>>) target(%dma_start3A_264 : memref<128xi32, #tpu.memory_space<vmem>>) target_semaphore(%run_scoped3A_257 : memref<!tpu.dma_semaphore, #tpu.memory_space<semaphore_mem>>)
        %dma_wait3A_266 = arith.constant 0 : i32
        %dma_wait3A_267 = tpu.memref_slice %arg8[%run_scoped3A_207, %dma_wait3A_266] : memref<2x128xi32, #tpu.memory_space<vmem>> -> memref<1x128xi32, #tpu.memory_space<vmem>>
        %dma_wait3A_268 = tpu.memref_squeeze %dma_wait3A_267 : memref<1x128xi32, #tpu.memory_space<vmem>> -> memref<128xi32, #tpu.memory_space<vmem>>
        %dma_wait3A_269 = tpu.memref_slice %arg4[%mul3A_205] : memref<320000xi32, #tpu.memory_space<hbm>> -> memref<128xi32, #tpu.memory_space<hbm>>
        %dma_wait3A_270 = arith.constant 0 : i32
        %dma_wait3A_271 = tpu.memref_slice %arg8[%run_scoped3A_207, %dma_wait3A_270] : memref<2x128xi32, #tpu.memory_space<vmem>> -> memref<1x128xi32, #tpu.memory_space<vmem>>
        %dma_wait3A_272 = tpu.memref_squeeze %dma_wait3A_271 : memref<1x128xi32, #tpu.memory_space<vmem>> -> memref<128xi32, #tpu.memory_space<vmem>>
        %dma_wait3A_273 = tpu.memref_slice %arg4[%mul3A_205] : memref<320000xi32, #tpu.memory_space<hbm>> -> memref<128xi32, #tpu.memory_space<hbm>>
        tpu.wait_dma2 semaphore(%run_scoped3A_257 : memref<!tpu.dma_semaphore, #tpu.memory_space<semaphore_mem>>) src(%dma_wait3A_273 : memref<128xi32, #tpu.memory_space<hbm>>) dst(%dma_wait3A_272 : memref<128xi32, #tpu.memory_space<vmem>>)
        tpu.yield
      }) : () -> ()
      %dma_start3A_208 = arith.constant 0 : i32
      %dma_start3A_209 = arith.constant 0 : i32
      %dma_start3A_210 = arith.constant 0 : i32
      %dma_start3A_211 = arith.constant 0 : i32
      %dma_start3A_212 = tpu.memref_slice %arg9[%dma_start3A_209, %dma_start3A_210, %dma_start3A_211] : memref<2x128x128xf32, #tpu.memory_space<vmem>> -> memref<1x128x128xf32, #tpu.memory_space<vmem>>
      %dma_start3A_213 = tpu.memref_squeeze %dma_start3A_212 : memref<1x128x128xf32, #tpu.memory_space<vmem>> -> memref<128x128xf32, #tpu.memory_space<vmem>>
      %dma_start3A_214 = arith.constant 0 : i32
      %dma_start3A_215 = tpu.memref_slice %arg7[%dma_start3A_208, %dma_start3A_214] : memref<2x128xi32, #tpu.memory_space<vmem>> -> memref<1x128xi32, #tpu.memory_space<vmem>>
      %dma_start3A_216 = tpu.memref_squeeze %dma_start3A_215 : memref<1x128xi32, #tpu.memory_space<vmem>> -> memref<128xi32, #tpu.memory_space<vmem>>
      %dma_start3A_217 = arith.constant 0 : i32
      %dma_start3A_218 = arith.constant 0 : i32
      %dma_start3A_219 = tpu.memref_slice %arg2[%dma_start3A_217, %dma_start3A_218] : memref<10000x128xf32, #tpu.memory_space<hbm>> -> memref<10000x128xf32, #tpu.memory_space<hbm>>
      tpu.enqueue_indirect_dma source(%dma_start3A_219 : memref<10000x128xf32, #tpu.memory_space<hbm>>) target(%dma_start3A_213 : memref<128x128xf32, #tpu.memory_space<vmem>>) offsets(%dma_start3A_216 : memref<128xi32, #tpu.memory_space<vmem>>) semaphore(%arg12 : memref<!tpu.dma_semaphore, #tpu.memory_space<semaphore_mem>>)
      %dma_wait3A_220 = arith.constant 1 : i32
      %dma_wait3A_221 = arith.constant 1 : i32
      %dma_wait3A_222 = arith.constant 0 : i32
      %dma_wait3A_223 = arith.constant 0 : i32
      %dma_wait3A_224 = tpu.memref_slice %arg9[%dma_wait3A_220, %dma_wait3A_222, %dma_wait3A_223] : memref<2x128x128xf32, #tpu.memory_space<vmem>> -> memref<1x128x128xf32, #tpu.memory_space<vmem>>
      %dma_wait3A_225 = tpu.memref_squeeze %dma_wait3A_224 : memref<1x128x128xf32, #tpu.memory_space<vmem>> -> memref<128x128xf32, #tpu.memory_space<vmem>>
      %dma_wait3A_226 = arith.constant 0 : i32
      %dma_wait3A_227 = tpu.memref_slice %arg8[%dma_wait3A_221, %dma_wait3A_226] : memref<2x128xi32, #tpu.memory_space<vmem>> -> memref<1x128xi32, #tpu.memory_space<vmem>>
      %dma_wait3A_228 = tpu.memref_squeeze %dma_wait3A_227 : memref<1x128xi32, #tpu.memory_space<vmem>> -> memref<128xi32, #tpu.memory_space<vmem>>
      %dma_wait3A_229 = arith.constant 0 : i32
      %dma_wait3A_230 = arith.constant 0 : i32
      %dma_wait3A_231 = tpu.memref_slice %arg11[%dma_wait3A_229, %dma_wait3A_230] : memref<10112x128xf32, #tpu.memory_space<vmem_shared>> -> memref<10112x128xf32, #tpu.memory_space<vmem_shared>>
      tpu.wait_indirect_dma semaphore(%arg15 : memref<!tpu.dma_semaphore, #tpu.memory_space<semaphore_mem>>) src(%dma_wait3A_225 : memref<128x128xf32, #tpu.memory_space<vmem>>) dst(%dma_wait3A_231 : memref<10112x128xf32, #tpu.memory_space<vmem_shared>>)
      %add3A_232 = arith.constant 1 : i32
      %add3A_233 = arith.addi %while3A_122, %add3A_232 : i32
      %mul3A_234 = arith.constant 2 : i32
      %mul3A_235 = arith.muli %add3A_233, %mul3A_234 : i32
      %add3A_236 = arith.constant 1 : i32
      %add3A_237 = arith.addi %mul3A_235, %add3A_236 : i32
      %add3A_238 = arith.addi %add3A_45, %add3A_237 : i32
      %min3A_239 = arith.constant 2499 : i32
      %min3A_240 = arith.minsi %add3A_238, %min3A_239 : i32
      %mul3A_241 = arith.constant 128 : i32
      %mul3A_242 = arith.muli %min3A_240, %mul3A_241 : i32
      %run_scoped3A_243 = arith.constant 1 : i32
      "tpu.region"() ({
        %run_scoped3A_257 = tpu.sem_alloc : memref<!tpu.dma_semaphore, #tpu.memory_space<semaphore_mem>>
        %dma_start3A_258 = arith.constant 0 : i32
        %dma_start3A_259 = tpu.memref_slice %arg7[%run_scoped3A_243, %dma_start3A_258] : memref<2x128xi32, #tpu.memory_space<vmem>> -> memref<1x128xi32, #tpu.memory_space<vmem>>
        %dma_start3A_260 = tpu.memref_squeeze %dma_start3A_259 : memref<1x128xi32, #tpu.memory_space<vmem>> -> memref<128xi32, #tpu.memory_space<vmem>>
        %dma_start3A_261 = tpu.memref_slice %arg3[%mul3A_242] : memref<320000xi32, #tpu.memory_space<hbm>> -> memref<128xi32, #tpu.memory_space<hbm>>
        %dma_start3A_262 = arith.constant 0 : i32
        %dma_start3A_263 = tpu.memref_slice %arg7[%run_scoped3A_243, %dma_start3A_262] : memref<2x128xi32, #tpu.memory_space<vmem>> -> memref<1x128xi32, #tpu.memory_space<vmem>>
        %dma_start3A_264 = tpu.memref_squeeze %dma_start3A_263 : memref<1x128xi32, #tpu.memory_space<vmem>> -> memref<128xi32, #tpu.memory_space<vmem>>
        %dma_start3A_265 = tpu.memref_slice %arg3[%mul3A_242] : memref<320000xi32, #tpu.memory_space<hbm>> -> memref<128xi32, #tpu.memory_space<hbm>>
        tpu.enqueue_dma source(%dma_start3A_265 : memref<128xi32, #tpu.memory_space<hbm>>) target(%dma_start3A_264 : memref<128xi32, #tpu.memory_space<vmem>>) target_semaphore(%run_scoped3A_257 : memref<!tpu.dma_semaphore, #tpu.memory_space<semaphore_mem>>)
        %dma_wait3A_266 = arith.constant 0 : i32
        %dma_wait3A_267 = tpu.memref_slice %arg7[%run_scoped3A_243, %dma_wait3A_266] : memref<2x128xi32, #tpu.memory_space<vmem>> -> memref<1x128xi32, #tpu.memory_space<vmem>>
        %dma_wait3A_268 = tpu.memref_squeeze %dma_wait3A_267 : memref<1x128xi32, #tpu.memory_space<vmem>> -> memref<128xi32, #tpu.memory_space<vmem>>
        %dma_wait3A_269 = tpu.memref_slice %arg3[%mul3A_242] : memref<320000xi32, #tpu.memory_space<hbm>> -> memref<128xi32, #tpu.memory_space<hbm>>
        %dma_wait3A_270 = arith.constant 0 : i32
        %dma_wait3A_271 = tpu.memref_slice %arg7[%run_scoped3A_243, %dma_wait3A_270] : memref<2x128xi32, #tpu.memory_space<vmem>> -> memref<1x128xi32, #tpu.memory_space<vmem>>
        %dma_wait3A_272 = tpu.memref_squeeze %dma_wait3A_271 : memref<1x128xi32, #tpu.memory_space<vmem>> -> memref<128xi32, #tpu.memory_space<vmem>>
        %dma_wait3A_273 = tpu.memref_slice %arg3[%mul3A_242] : memref<320000xi32, #tpu.memory_space<hbm>> -> memref<128xi32, #tpu.memory_space<hbm>>
        tpu.wait_dma2 semaphore(%run_scoped3A_257 : memref<!tpu.dma_semaphore, #tpu.memory_space<semaphore_mem>>) src(%dma_wait3A_273 : memref<128xi32, #tpu.memory_space<hbm>>) dst(%dma_wait3A_272 : memref<128xi32, #tpu.memory_space<vmem>>)
        tpu.yield
      }) : () -> ()
      %run_scoped3A_244 = arith.constant 1 : i32
      "tpu.region"() ({
        %run_scoped3A_257 = tpu.sem_alloc : memref<!tpu.dma_semaphore, #tpu.memory_space<semaphore_mem>>
        %dma_start3A_258 = arith.constant 0 : i32
        %dma_start3A_259 = tpu.memref_slice %arg8[%run_scoped3A_244, %dma_start3A_258] : memref<2x128xi32, #tpu.memory_space<vmem>> -> memref<1x128xi32, #tpu.memory_space<vmem>>
        %dma_start3A_260 = tpu.memref_squeeze %dma_start3A_259 : memref<1x128xi32, #tpu.memory_space<vmem>> -> memref<128xi32, #tpu.memory_space<vmem>>
        %dma_start3A_261 = tpu.memref_slice %arg4[%mul3A_242] : memref<320000xi32, #tpu.memory_space<hbm>> -> memref<128xi32, #tpu.memory_space<hbm>>
        %dma_start3A_262 = arith.constant 0 : i32
        %dma_start3A_263 = tpu.memref_slice %arg8[%run_scoped3A_244, %dma_start3A_262] : memref<2x128xi32, #tpu.memory_space<vmem>> -> memref<1x128xi32, #tpu.memory_space<vmem>>
        %dma_start3A_264 = tpu.memref_squeeze %dma_start3A_263 : memref<1x128xi32, #tpu.memory_space<vmem>> -> memref<128xi32, #tpu.memory_space<vmem>>
        %dma_start3A_265 = tpu.memref_slice %arg4[%mul3A_242] : memref<320000xi32, #tpu.memory_space<hbm>> -> memref<128xi32, #tpu.memory_space<hbm>>
        tpu.enqueue_dma source(%dma_start3A_265 : memref<128xi32, #tpu.memory_space<hbm>>) target(%dma_start3A_264 : memref<128xi32, #tpu.memory_space<vmem>>) target_semaphore(%run_scoped3A_257 : memref<!tpu.dma_semaphore, #tpu.memory_space<semaphore_mem>>)
        %dma_wait3A_266 = arith.constant 0 : i32
        %dma_wait3A_267 = tpu.memref_slice %arg8[%run_scoped3A_244, %dma_wait3A_266] : memref<2x128xi32, #tpu.memory_space<vmem>> -> memref<1x128xi32, #tpu.memory_space<vmem>>
        %dma_wait3A_268 = tpu.memref_squeeze %dma_wait3A_267 : memref<1x128xi32, #tpu.memory_space<vmem>> -> memref<128xi32, #tpu.memory_space<vmem>>
        %dma_wait3A_269 = tpu.memref_slice %arg4[%mul3A_242] : memref<320000xi32, #tpu.memory_space<hbm>> -> memref<128xi32, #tpu.memory_space<hbm>>
        %dma_wait3A_270 = arith.constant 0 : i32
        %dma_wait3A_271 = tpu.memref_slice %arg8[%run_scoped3A_244, %dma_wait3A_270] : memref<2x128xi32, #tpu.memory_space<vmem>> -> memref<1x128xi32, #tpu.memory_space<vmem>>
        %dma_wait3A_272 = tpu.memref_squeeze %dma_wait3A_271 : memref<1x128xi32, #tpu.memory_space<vmem>> -> memref<128xi32, #tpu.memory_space<vmem>>
        %dma_wait3A_273 = tpu.memref_slice %arg4[%mul3A_242] : memref<320000xi32, #tpu.memory_space<hbm>> -> memref<128xi32, #tpu.memory_space<hbm>>
        tpu.wait_dma2 semaphore(%run_scoped3A_257 : memref<!tpu.dma_semaphore, #tpu.memory_space<semaphore_mem>>) src(%dma_wait3A_273 : memref<128xi32, #tpu.memory_space<hbm>>) dst(%dma_wait3A_272 : memref<128xi32, #tpu.memory_space<vmem>>)
        tpu.yield
      }) : () -> ()
      %dma_start3A_245 = arith.constant 1 : i32
      %dma_start3A_246 = arith.constant 1 : i32
      %dma_start3A_247 = arith.constant 0 : i32
      %dma_start3A_248 = arith.constant 0 : i32
      %dma_start3A_249 = tpu.memref_slice %arg9[%dma_start3A_246, %dma_start3A_247, %dma_start3A_248] : memref<2x128x128xf32, #tpu.memory_space<vmem>> -> memref<1x128x128xf32, #tpu.memory_space<vmem>>
      %dma_start3A_250 = tpu.memref_squeeze %dma_start3A_249 : memref<1x128x128xf32, #tpu.memory_space<vmem>> -> memref<128x128xf32, #tpu.memory_space<vmem>>
      %dma_start3A_251 = arith.constant 0 : i32
      %dma_start3A_252 = tpu.memref_slice %arg7[%dma_start3A_245, %dma_start3A_251] : memref<2x128xi32, #tpu.memory_space<vmem>> -> memref<1x128xi32, #tpu.memory_space<vmem>>
      %dma_start3A_253 = tpu.memref_squeeze %dma_start3A_252 : memref<1x128xi32, #tpu.memory_space<vmem>> -> memref<128xi32, #tpu.memory_space<vmem>>
      %dma_start3A_254 = arith.constant 0 : i32
      %dma_start3A_255 = arith.constant 0 : i32
      %dma_start3A_256 = tpu.memref_slice %arg2[%dma_start3A_254, %dma_start3A_255] : memref<10000x128xf32, #tpu.memory_space<hbm>> -> memref<10000x128xf32, #tpu.memory_space<hbm>>
      tpu.enqueue_indirect_dma source(%dma_start3A_256 : memref<10000x128xf32, #tpu.memory_space<hbm>>) target(%dma_start3A_250 : memref<128x128xf32, #tpu.memory_space<vmem>>) offsets(%dma_start3A_253 : memref<128xi32, #tpu.memory_space<vmem>>) semaphore(%arg13 : memref<!tpu.dma_semaphore, #tpu.memory_space<semaphore_mem>>)
    }
    %while3A_95 = arith.constant 1 : i32
    scf.for %while3A_122 = %while3A_93 to %while3A_89 step %while3A_95  : i32 {
      %dma_wait3A_123 = arith.constant 0 : i32
      %dma_wait3A_124 = arith.constant 0 : i32
      %dma_wait3A_125 = arith.constant 0 : i32
      %dma_wait3A_126 = arith.constant 0 : i32
      %dma_wait3A_127 = tpu.memref_slice %arg9[%dma_wait3A_124, %dma_wait3A_125, %dma_wait3A_126] : memref<2x128x128xf32, #tpu.memory_space<vmem>> -> memref<1x128x128xf32, #tpu.memory_space<vmem>>
      %dma_wait3A_128 = tpu.memref_squeeze %dma_wait3A_127 : memref<1x128x128xf32, #tpu.memory_space<vmem>> -> memref<128x128xf32, #tpu.memory_space<vmem>>
      %dma_wait3A_129 = arith.constant 0 : i32
      %dma_wait3A_130 = tpu.memref_slice %arg7[%dma_wait3A_123, %dma_wait3A_129] : memref<2x128xi32, #tpu.memory_space<vmem>> -> memref<1x128xi32, #tpu.memory_space<vmem>>
      %dma_wait3A_131 = tpu.memref_squeeze %dma_wait3A_130 : memref<1x128xi32, #tpu.memory_space<vmem>> -> memref<128xi32, #tpu.memory_space<vmem>>
      %dma_wait3A_132 = arith.constant 0 : i32
      %dma_wait3A_133 = arith.constant 0 : i32
      %dma_wait3A_134 = tpu.memref_slice %arg2[%dma_wait3A_132, %dma_wait3A_133] : memref<10000x128xf32, #tpu.memory_space<hbm>> -> memref<10000x128xf32, #tpu.memory_space<hbm>>
      tpu.wait_indirect_dma semaphore(%arg12 : memref<!tpu.dma_semaphore, #tpu.memory_space<semaphore_mem>>) src(%dma_wait3A_134 : memref<10000x128xf32, #tpu.memory_space<hbm>>) dst(%dma_wait3A_128 : memref<128x128xf32, #tpu.memory_space<vmem>>)
      %dma_start3A_135 = arith.constant 0 : i32
      %dma_start3A_136 = arith.constant 0 : i32
      %dma_start3A_137 = arith.constant 0 : i32
      %dma_start3A_138 = arith.constant 0 : i32
      %dma_start3A_139 = tpu.memref_slice %arg9[%dma_start3A_135, %dma_start3A_137, %dma_start3A_138] : memref<2x128x128xf32, #tpu.memory_space<vmem>> -> memref<1x128x128xf32, #tpu.memory_space<vmem>>
      %dma_start3A_140 = tpu.memref_squeeze %dma_start3A_139 : memref<1x128x128xf32, #tpu.memory_space<vmem>> -> memref<128x128xf32, #tpu.memory_space<vmem>>
      %dma_start3A_141 = arith.constant 0 : i32
      %dma_start3A_142 = tpu.memref_slice %arg8[%dma_start3A_136, %dma_start3A_141] : memref<2x128xi32, #tpu.memory_space<vmem>> -> memref<1x128xi32, #tpu.memory_space<vmem>>
      %dma_start3A_143 = tpu.memref_squeeze %dma_start3A_142 : memref<1x128xi32, #tpu.memory_space<vmem>> -> memref<128xi32, #tpu.memory_space<vmem>>
      %dma_start3A_144 = arith.constant 0 : i32
      %dma_start3A_145 = arith.constant 0 : i32
      %dma_start3A_146 = tpu.memref_slice %arg11[%dma_start3A_144, %dma_start3A_145] : memref<10112x128xf32, #tpu.memory_space<vmem_shared>> -> memref<10112x128xf32, #tpu.memory_space<vmem_shared>>
      tpu.enqueue_indirect_dma source(%dma_start3A_140 : memref<128x128xf32, #tpu.memory_space<vmem>>) target(%dma_start3A_146 : memref<10112x128xf32, #tpu.memory_space<vmem_shared>>) offsets(%dma_start3A_143 : memref<128xi32, #tpu.memory_space<vmem>>) semaphore(%arg14 : memref<!tpu.dma_semaphore, #tpu.memory_space<semaphore_mem>>) {add = true}
      %scan3A_147 = arith.constant 0 : i32
      %scan3A_148 = arith.constant 0 : i32
      %scan3A_149 = arith.constant 8 : i32
      %scan3A_150 = arith.addi %scan3A_148, %scan3A_149 : i32
      %scan3A_151 = arith.constant 1 : i32
      scf.for %scan3A_257 = %scan3A_148 to %scan3A_150 step %scan3A_151  : i32 {
        %mul3A_258 = arith.constant 16 : i32
        %mul3A_259 = arith.muli %scan3A_257, %mul3A_258 : i32
        %get3A = arith.constant 0 : i32
        %get3A_260 = arith.index_cast %get3A : i32 to index
        %get3A_261 = arith.index_cast %mul3A_259 : i32 to index
        %get3A_262 = tpu.vector_load %arg8[%get3A_260, %get3A_261] {strides = array<i32>} : memref<2x128xi32, #tpu.memory_space<vmem>>, vector<16xi32>,
        tpu.vector_store_idx %arg10[%get3A_262], %broadcast_in_dim3A_47 {add = true} : memref<10112xf32, #tpu.memory_space<vmem>>[vector<16xi32>], vector<16xf32>,
      }
      %scan3A_152 = arith.constant 8 : i32
      %dma_wait3A_153 = arith.constant 1 : i32
      %dma_wait3A_154 = arith.constant 1 : i32
      %dma_wait3A_155 = arith.constant 0 : i32
      %dma_wait3A_156 = arith.constant 0 : i32
      %dma_wait3A_157 = tpu.memref_slice %arg9[%dma_wait3A_154, %dma_wait3A_155, %dma_wait3A_156] : memref<2x128x128xf32, #tpu.memory_space<vmem>> -> memref<1x128x128xf32, #tpu.memory_space<vmem>>
      %dma_wait3A_158 = tpu.memref_squeeze %dma_wait3A_157 : memref<1x128x128xf32, #tpu.memory_space<vmem>> -> memref<128x128xf32, #tpu.memory_space<vmem>>
      %dma_wait3A_159 = arith.constant 0 : i32
      %dma_wait3A_160 = tpu.memref_slice %arg7[%dma_wait3A_153, %dma_wait3A_159] : memref<2x128xi32, #tpu.memory_space<vmem>> -> memref<1x128xi32, #tpu.memory_space<vmem>>
      %dma_wait3A_161 = tpu.memref_squeeze %dma_wait3A_160 : memref<1x128xi32, #tpu.memory_space<vmem>> -> memref<128xi32, #tpu.memory_space<vmem>>
      %dma_wait3A_162 = arith.constant 0 : i32
      %dma_wait3A_163 = arith.constant 0 : i32
      %dma_wait3A_164 = tpu.memref_slice %arg2[%dma_wait3A_162, %dma_wait3A_163] : memref<10000x128xf32, #tpu.memory_space<hbm>> -> memref<10000x128xf32, #tpu.memory_space<hbm>>
      tpu.wait_indirect_dma semaphore(%arg13 : memref<!tpu.dma_semaphore, #tpu.memory_space<semaphore_mem>>) src(%dma_wait3A_164 : memref<10000x128xf32, #tpu.memory_space<hbm>>) dst(%dma_wait3A_158 : memref<128x128xf32, #tpu.memory_space<vmem>>)
      %dma_start3A_165 = arith.constant 1 : i32
      %dma_start3A_166 = arith.constant 1 : i32
      %dma_start3A_167 = arith.constant 0 : i32
      %dma_start3A_168 = arith.constant 0 : i32
      %dma_start3A_169 = tpu.memref_slice %arg9[%dma_start3A_165, %dma_start3A_167, %dma_start3A_168] : memref<2x128x128xf32, #tpu.memory_space<vmem>> -> memref<1x128x128xf32, #tpu.memory_space<vmem>>
      %dma_start3A_170 = tpu.memref_squeeze %dma_start3A_169 : memref<1x128x128xf32, #tpu.memory_space<vmem>> -> memref<128x128xf32, #tpu.memory_space<vmem>>
      %dma_start3A_171 = arith.constant 0 : i32
      %dma_start3A_172 = tpu.memref_slice %arg8[%dma_start3A_166, %dma_start3A_171] : memref<2x128xi32, #tpu.memory_space<vmem>> -> memref<1x128xi32, #tpu.memory_space<vmem>>
      %dma_start3A_173 = tpu.memref_squeeze %dma_start3A_172 : memref<1x128xi32, #tpu.memory_space<vmem>> -> memref<128xi32, #tpu.memory_space<vmem>>
      %dma_start3A_174 = arith.constant 0 : i32
      %dma_start3A_175 = arith.constant 0 : i32
      %dma_start3A_176 = tpu.memref_slice %arg11[%dma_start3A_174, %dma_start3A_175] : memref<10112x128xf32, #tpu.memory_space<vmem_shared>> -> memref<10112x128xf32, #tpu.memory_space<vmem_shared>>
      tpu.enqueue_indirect_dma source(%dma_start3A_170 : memref<128x128xf32, #tpu.memory_space<vmem>>) target(%dma_start3A_176 : memref<10112x128xf32, #tpu.memory_space<vmem_shared>>) offsets(%dma_start3A_173 : memref<128xi32, #tpu.memory_space<vmem>>) semaphore(%arg15 : memref<!tpu.dma_semaphore, #tpu.memory_space<semaphore_mem>>) {add = true}
      %scan3A_177 = arith.constant 0 : i32
      %scan3A_178 = arith.constant 0 : i32
      %scan3A_179 = arith.constant 8 : i32
      %scan3A_180 = arith.addi %scan3A_178, %scan3A_179 : i32
      %scan3A_181 = arith.constant 1 : i32
      scf.for %scan3A_257 = %scan3A_178 to %scan3A_180 step %scan3A_181  : i32 {
        %mul3A_258 = arith.constant 16 : i32
        %mul3A_259 = arith.muli %scan3A_257, %mul3A_258 : i32
        %get3A = arith.constant 1 : i32
        %get3A_260 = arith.index_cast %get3A : i32 to index
        %get3A_261 = arith.index_cast %mul3A_259 : i32 to index
        %get3A_262 = tpu.vector_load %arg8[%get3A_260, %get3A_261] {strides = array<i32>} : memref<2x128xi32, #tpu.memory_space<vmem>>, vector<16xi32>,
        tpu.vector_store_idx %arg10[%get3A_262], %broadcast_in_dim3A_47 {add = true} : memref<10112xf32, #tpu.memory_space<vmem>>[vector<16xi32>], vector<16xf32>,
      }
      %scan3A_182 = arith.constant 8 : i32
      %dma_wait3A_183 = arith.constant 0 : i32
      %dma_wait3A_184 = arith.constant 0 : i32
      %dma_wait3A_185 = arith.constant 0 : i32
      %dma_wait3A_186 = arith.constant 0 : i32
      %dma_wait3A_187 = tpu.memref_slice %arg9[%dma_wait3A_183, %dma_wait3A_185, %dma_wait3A_186] : memref<2x128x128xf32, #tpu.memory_space<vmem>> -> memref<1x128x128xf32, #tpu.memory_space<vmem>>
      %dma_wait3A_188 = tpu.memref_squeeze %dma_wait3A_187 : memref<1x128x128xf32, #tpu.memory_space<vmem>> -> memref<128x128xf32, #tpu.memory_space<vmem>>
      %dma_wait3A_189 = arith.constant 0 : i32
      %dma_wait3A_190 = tpu.memref_slice %arg8[%dma_wait3A_184, %dma_wait3A_189] : memref<2x128xi32, #tpu.memory_space<vmem>> -> memref<1x128xi32, #tpu.memory_space<vmem>>
      %dma_wait3A_191 = tpu.memref_squeeze %dma_wait3A_190 : memref<1x128xi32, #tpu.memory_space<vmem>> -> memref<128xi32, #tpu.memory_space<vmem>>
      %dma_wait3A_192 = arith.constant 0 : i32
      %dma_wait3A_193 = arith.constant 0 : i32
      %dma_wait3A_194 = tpu.memref_slice %arg11[%dma_wait3A_192, %dma_wait3A_193] : memref<10112x128xf32, #tpu.memory_space<vmem_shared>> -> memref<10112x128xf32, #tpu.memory_space<vmem_shared>>
      tpu.wait_indirect_dma semaphore(%arg14 : memref<!tpu.dma_semaphore, #tpu.memory_space<semaphore_mem>>) src(%dma_wait3A_188 : memref<128x128xf32, #tpu.memory_space<vmem>>) dst(%dma_wait3A_194 : memref<10112x128xf32, #tpu.memory_space<vmem_shared>>)
      %add3A_195 = arith.constant 1 : i32
      %add3A_196 = arith.addi %while3A_122, %add3A_195 : i32
      %mul3A_197 = arith.constant 2 : i32
      %mul3A_198 = arith.muli %add3A_196, %mul3A_197 : i32
      %add3A_199 = arith.constant 0 : i32
      %add3A_200 = arith.addi %mul3A_198, %add3A_199 : i32
      %add3A_201 = arith.addi %add3A_45, %add3A_200 : i32
      %min3A_202 = arith.constant 2499 : i32
      %min3A_203 = arith.minsi %add3A_201, %min3A_202 : i32
      %mul3A_204 = arith.constant 128 : i32
      %mul3A_205 = arith.muli %min3A_203, %mul3A_204 : i32
      %run_scoped3A_206 = arith.constant 0 : i32
      "tpu.region"() ({
        %run_scoped3A_257 = tpu.sem_alloc : memref<!tpu.dma_semaphore, #tpu.memory_space<semaphore_mem>>
        %dma_start3A_258 = arith.constant 0 : i32
        %dma_start3A_259 = tpu.memref_slice %arg7[%run_scoped3A_206, %dma_start3A_258] : memref<2x128xi32, #tpu.memory_space<vmem>> -> memref<1x128xi32, #tpu.memory_space<vmem>>
        %dma_start3A_260 = tpu.memref_squeeze %dma_start3A_259 : memref<1x128xi32, #tpu.memory_space<vmem>> -> memref<128xi32, #tpu.memory_space<vmem>>
        %dma_start3A_261 = tpu.memref_slice %arg3[%mul3A_205] : memref<320000xi32, #tpu.memory_space<hbm>> -> memref<128xi32, #tpu.memory_space<hbm>>
        %dma_start3A_262 = arith.constant 0 : i32
        %dma_start3A_263 = tpu.memref_slice %arg7[%run_scoped3A_206, %dma_start3A_262] : memref<2x128xi32, #tpu.memory_space<vmem>> -> memref<1x128xi32, #tpu.memory_space<vmem>>
        %dma_start3A_264 = tpu.memref_squeeze %dma_start3A_263 : memref<1x128xi32, #tpu.memory_space<vmem>> -> memref<128xi32, #tpu.memory_space<vmem>>
        %dma_start3A_265 = tpu.memref_slice %arg3[%mul3A_205] : memref<320000xi32, #tpu.memory_space<hbm>> -> memref<128xi32, #tpu.memory_space<hbm>>
        tpu.enqueue_dma source(%dma_start3A_265 : memref<128xi32, #tpu.memory_space<hbm>>) target(%dma_start3A_264 : memref<128xi32, #tpu.memory_space<vmem>>) target_semaphore(%run_scoped3A_257 : memref<!tpu.dma_semaphore, #tpu.memory_space<semaphore_mem>>)
        %dma_wait3A_266 = arith.constant 0 : i32
        %dma_wait3A_267 = tpu.memref_slice %arg7[%run_scoped3A_206, %dma_wait3A_266] : memref<2x128xi32, #tpu.memory_space<vmem>> -> memref<1x128xi32, #tpu.memory_space<vmem>>
        %dma_wait3A_268 = tpu.memref_squeeze %dma_wait3A_267 : memref<1x128xi32, #tpu.memory_space<vmem>> -> memref<128xi32, #tpu.memory_space<vmem>>
        %dma_wait3A_269 = tpu.memref_slice %arg3[%mul3A_205] : memref<320000xi32, #tpu.memory_space<hbm>> -> memref<128xi32, #tpu.memory_space<hbm>>
        %dma_wait3A_270 = arith.constant 0 : i32
        %dma_wait3A_271 = tpu.memref_slice %arg7[%run_scoped3A_206, %dma_wait3A_270] : memref<2x128xi32, #tpu.memory_space<vmem>> -> memref<1x128xi32, #tpu.memory_space<vmem>>
        %dma_wait3A_272 = tpu.memref_squeeze %dma_wait3A_271 : memref<1x128xi32, #tpu.memory_space<vmem>> -> memref<128xi32, #tpu.memory_space<vmem>>
        %dma_wait3A_273 = tpu.memref_slice %arg3[%mul3A_205] : memref<320000xi32, #tpu.memory_space<hbm>> -> memref<128xi32, #tpu.memory_space<hbm>>
        tpu.wait_dma2 semaphore(%run_scoped3A_257 : memref<!tpu.dma_semaphore, #tpu.memory_space<semaphore_mem>>) src(%dma_wait3A_273 : memref<128xi32, #tpu.memory_space<hbm>>) dst(%dma_wait3A_272 : memref<128xi32, #tpu.memory_space<vmem>>)
        tpu.yield
      }) : () -> ()
      %run_scoped3A_207 = arith.constant 0 : i32
      "tpu.region"() ({
        %run_scoped3A_257 = tpu.sem_alloc : memref<!tpu.dma_semaphore, #tpu.memory_space<semaphore_mem>>
        %dma_start3A_258 = arith.constant 0 : i32
        %dma_start3A_259 = tpu.memref_slice %arg8[%run_scoped3A_207, %dma_start3A_258] : memref<2x128xi32, #tpu.memory_space<vmem>> -> memref<1x128xi32, #tpu.memory_space<vmem>>
        %dma_start3A_260 = tpu.memref_squeeze %dma_start3A_259 : memref<1x128xi32, #tpu.memory_space<vmem>> -> memref<128xi32, #tpu.memory_space<vmem>>
        %dma_start3A_261 = tpu.memref_slice %arg4[%mul3A_205] : memref<320000xi32, #tpu.memory_space<hbm>> -> memref<128xi32, #tpu.memory_space<hbm>>
        %dma_start3A_262 = arith.constant 0 : i32
        %dma_start3A_263 = tpu.memref_slice %arg8[%run_scoped3A_207, %dma_start3A_262] : memref<2x128xi32, #tpu.memory_space<vmem>> -> memref<1x128xi32, #tpu.memory_space<vmem>>
        %dma_start3A_264 = tpu.memref_squeeze %dma_start3A_263 : memref<1x128xi32, #tpu.memory_space<vmem>> -> memref<128xi32, #tpu.memory_space<vmem>>
        %dma_start3A_265 = tpu.memref_slice %arg4[%mul3A_205] : memref<320000xi32, #tpu.memory_space<hbm>> -> memref<128xi32, #tpu.memory_space<hbm>>
        tpu.enqueue_dma source(%dma_start3A_265 : memref<128xi32, #tpu.memory_space<hbm>>) target(%dma_start3A_264 : memref<128xi32, #tpu.memory_space<vmem>>) target_semaphore(%run_scoped3A_257 : memref<!tpu.dma_semaphore, #tpu.memory_space<semaphore_mem>>)
        %dma_wait3A_266 = arith.constant 0 : i32
        %dma_wait3A_267 = tpu.memref_slice %arg8[%run_scoped3A_207, %dma_wait3A_266] : memref<2x128xi32, #tpu.memory_space<vmem>> -> memref<1x128xi32, #tpu.memory_space<vmem>>
        %dma_wait3A_268 = tpu.memref_squeeze %dma_wait3A_267 : memref<1x128xi32, #tpu.memory_space<vmem>> -> memref<128xi32, #tpu.memory_space<vmem>>
        %dma_wait3A_269 = tpu.memref_slice %arg4[%mul3A_205] : memref<320000xi32, #tpu.memory_space<hbm>> -> memref<128xi32, #tpu.memory_space<hbm>>
        %dma_wait3A_270 = arith.constant 0 : i32
        %dma_wait3A_271 = tpu.memref_slice %arg8[%run_scoped3A_207, %dma_wait3A_270] : memref<2x128xi32, #tpu.memory_space<vmem>> -> memref<1x128xi32, #tpu.memory_space<vmem>>
        %dma_wait3A_272 = tpu.memref_squeeze %dma_wait3A_271 : memref<1x128xi32, #tpu.memory_space<vmem>> -> memref<128xi32, #tpu.memory_space<vmem>>
        %dma_wait3A_273 = tpu.memref_slice %arg4[%mul3A_205] : memref<320000xi32, #tpu.memory_space<hbm>> -> memref<128xi32, #tpu.memory_space<hbm>>
        tpu.wait_dma2 semaphore(%run_scoped3A_257 : memref<!tpu.dma_semaphore, #tpu.memory_space<semaphore_mem>>) src(%dma_wait3A_273 : memref<128xi32, #tpu.memory_space<hbm>>) dst(%dma_wait3A_272 : memref<128xi32, #tpu.memory_space<vmem>>)
        tpu.yield
      }) : () -> ()
      %dma_start3A_208 = arith.constant 0 : i32
      %dma_start3A_209 = arith.constant 0 : i32
      %dma_start3A_210 = arith.constant 0 : i32
      %dma_start3A_211 = arith.constant 0 : i32
      %dma_start3A_212 = tpu.memref_slice %arg9[%dma_start3A_209, %dma_start3A_210, %dma_start3A_211] : memref<2x128x128xf32, #tpu.memory_space<vmem>> -> memref<1x128x128xf32, #tpu.memory_space<vmem>>
      %dma_start3A_213 = tpu.memref_squeeze %dma_start3A_212 : memref<1x128x128xf32, #tpu.memory_space<vmem>> -> memref<128x128xf32, #tpu.memory_space<vmem>>
      %dma_start3A_214 = arith.constant 0 : i32
      %dma_start3A_215 = tpu.memref_slice %arg7[%dma_start3A_208, %dma_start3A_214] : memref<2x128xi32, #tpu.memory_space<vmem>> -> memref<1x128xi32, #tpu.memory_space<vmem>>
      %dma_start3A_216 = tpu.memref_squeeze %dma_start3A_215 : memref<1x128xi32, #tpu.memory_space<vmem>> -> memref<128xi32, #tpu.memory_space<vmem>>
      %dma_start3A_217 = arith.constant 0 : i32
      %dma_start3A_218 = arith.constant 0 : i32
      %dma_start3A_219 = tpu.memref_slice %arg2[%dma_start3A_217, %dma_start3A_218] : memref<10000x128xf32, #tpu.memory_space<hbm>> -> memref<10000x128xf32, #tpu.memory_space<hbm>>
      tpu.enqueue_indirect_dma source(%dma_start3A_219 : memref<10000x128xf32, #tpu.memory_space<hbm>>) target(%dma_start3A_213 : memref<128x128xf32, #tpu.memory_space<vmem>>) offsets(%dma_start3A_216 : memref<128xi32, #tpu.memory_space<vmem>>) semaphore(%arg12 : memref<!tpu.dma_semaphore, #tpu.memory_space<semaphore_mem>>)
      %dma_wait3A_220 = arith.constant 1 : i32
      %dma_wait3A_221 = arith.constant 1 : i32
      %dma_wait3A_222 = arith.constant 0 : i32
      %dma_wait3A_223 = arith.constant 0 : i32
      %dma_wait3A_224 = tpu.memref_slice %arg9[%dma_wait3A_220, %dma_wait3A_222, %dma_wait3A_223] : memref<2x128x128xf32, #tpu.memory_space<vmem>> -> memref<1x128x128xf32, #tpu.memory_space<vmem>>
      %dma_wait3A_225 = tpu.memref_squeeze %dma_wait3A_224 : memref<1x128x128xf32, #tpu.memory_space<vmem>> -> memref<128x128xf32, #tpu.memory_space<vmem>>
      %dma_wait3A_226 = arith.constant 0 : i32
      %dma_wait3A_227 = tpu.memref_slice %arg8[%dma_wait3A_221, %dma_wait3A_226] : memref<2x128xi32, #tpu.memory_space<vmem>> -> memref<1x128xi32, #tpu.memory_space<vmem>>
      %dma_wait3A_228 = tpu.memref_squeeze %dma_wait3A_227 : memref<1x128xi32, #tpu.memory_space<vmem>> -> memref<128xi32, #tpu.memory_space<vmem>>
      %dma_wait3A_229 = arith.constant 0 : i32
      %dma_wait3A_230 = arith.constant 0 : i32
      %dma_wait3A_231 = tpu.memref_slice %arg11[%dma_wait3A_229, %dma_wait3A_230] : memref<10112x128xf32, #tpu.memory_space<vmem_shared>> -> memref<10112x128xf32, #tpu.memory_space<vmem_shared>>
      tpu.wait_indirect_dma semaphore(%arg15 : memref<!tpu.dma_semaphore, #tpu.memory_space<semaphore_mem>>) src(%dma_wait3A_225 : memref<128x128xf32, #tpu.memory_space<vmem>>) dst(%dma_wait3A_231 : memref<10112x128xf32, #tpu.memory_space<vmem_shared>>)
      %add3A_232 = arith.constant 1 : i32
      %add3A_233 = arith.addi %while3A_122, %add3A_232 : i32
      %mul3A_234 = arith.constant 2 : i32
      %mul3A_235 = arith.muli %add3A_233, %mul3A_234 : i32
      %add3A_236 = arith.constant 1 : i32
      %add3A_237 = arith.addi %mul3A_235, %add3A_236 : i32
      %add3A_238 = arith.addi %add3A_45, %add3A_237 : i32
      %min3A_239 = arith.constant 2499 : i32
      %min3A_240 = arith.minsi %add3A_238, %min3A_239 : i32
      %mul3A_241 = arith.constant 128 : i32
      %mul3A_242 = arith.muli %min3A_240, %mul3A_241 : i32
      %run_scoped3A_243 = arith.constant 1 : i32
      "tpu.region"() ({
        %run_scoped3A_257 = tpu.sem_alloc : memref<!tpu.dma_semaphore, #tpu.memory_space<semaphore_mem>>
        %dma_start3A_258 = arith.constant 0 : i32
        %dma_start3A_259 = tpu.memref_slice %arg7[%run_scoped3A_243, %dma_start3A_258] : memref<2x128xi32, #tpu.memory_space<vmem>> -> memref<1x128xi32, #tpu.memory_space<vmem>>
        %dma_start3A_260 = tpu.memref_squeeze %dma_start3A_259 : memref<1x128xi32, #tpu.memory_space<vmem>> -> memref<128xi32, #tpu.memory_space<vmem>>
        %dma_start3A_261 = tpu.memref_slice %arg3[%mul3A_242] : memref<320000xi32, #tpu.memory_space<hbm>> -> memref<128xi32, #tpu.memory_space<hbm>>
        %dma_start3A_262 = arith.constant 0 : i32
        %dma_start3A_263 = tpu.memref_slice %arg7[%run_scoped3A_243, %dma_start3A_262] : memref<2x128xi32, #tpu.memory_space<vmem>> -> memref<1x128xi32, #tpu.memory_space<vmem>>
        %dma_start3A_264 = tpu.memref_squeeze %dma_start3A_263 : memref<1x128xi32, #tpu.memory_space<vmem>> -> memref<128xi32, #tpu.memory_space<vmem>>
        %dma_start3A_265 = tpu.memref_slice %arg3[%mul3A_242] : memref<320000xi32, #tpu.memory_space<hbm>> -> memref<128xi32, #tpu.memory_space<hbm>>
        tpu.enqueue_dma source(%dma_start3A_265 : memref<128xi32, #tpu.memory_space<hbm>>) target(%dma_start3A_264 : memref<128xi32, #tpu.memory_space<vmem>>) target_semaphore(%run_scoped3A_257 : memref<!tpu.dma_semaphore, #tpu.memory_space<semaphore_mem>>)
        %dma_wait3A_266 = arith.constant 0 : i32
        %dma_wait3A_267 = tpu.memref_slice %arg7[%run_scoped3A_243, %dma_wait3A_266] : memref<2x128xi32, #tpu.memory_space<vmem>> -> memref<1x128xi32, #tpu.memory_space<vmem>>
        %dma_wait3A_268 = tpu.memref_squeeze %dma_wait3A_267 : memref<1x128xi32, #tpu.memory_space<vmem>> -> memref<128xi32, #tpu.memory_space<vmem>>
        %dma_wait3A_269 = tpu.memref_slice %arg3[%mul3A_242] : memref<320000xi32, #tpu.memory_space<hbm>> -> memref<128xi32, #tpu.memory_space<hbm>>
        %dma_wait3A_270 = arith.constant 0 : i32
        %dma_wait3A_271 = tpu.memref_slice %arg7[%run_scoped3A_243, %dma_wait3A_270] : memref<2x128xi32, #tpu.memory_space<vmem>> -> memref<1x128xi32, #tpu.memory_space<vmem>>
        %dma_wait3A_272 = tpu.memref_squeeze %dma_wait3A_271 : memref<1x128xi32, #tpu.memory_space<vmem>> -> memref<128xi32, #tpu.memory_space<vmem>>
        %dma_wait3A_273 = tpu.memref_slice %arg3[%mul3A_242] : memref<320000xi32, #tpu.memory_space<hbm>> -> memref<128xi32, #tpu.memory_space<hbm>>
        tpu.wait_dma2 semaphore(%run_scoped3A_257 : memref<!tpu.dma_semaphore, #tpu.memory_space<semaphore_mem>>) src(%dma_wait3A_273 : memref<128xi32, #tpu.memory_space<hbm>>) dst(%dma_wait3A_272 : memref<128xi32, #tpu.memory_space<vmem>>)
        tpu.yield
      }) : () -> ()
      %run_scoped3A_244 = arith.constant 1 : i32
      "tpu.region"() ({
        %run_scoped3A_257 = tpu.sem_alloc : memref<!tpu.dma_semaphore, #tpu.memory_space<semaphore_mem>>
        %dma_start3A_258 = arith.constant 0 : i32
        %dma_start3A_259 = tpu.memref_slice %arg8[%run_scoped3A_244, %dma_start3A_258] : memref<2x128xi32, #tpu.memory_space<vmem>> -> memref<1x128xi32, #tpu.memory_space<vmem>>
        %dma_start3A_260 = tpu.memref_squeeze %dma_start3A_259 : memref<1x128xi32, #tpu.memory_space<vmem>> -> memref<128xi32, #tpu.memory_space<vmem>>
        %dma_start3A_261 = tpu.memref_slice %arg4[%mul3A_242] : memref<320000xi32, #tpu.memory_space<hbm>> -> memref<128xi32, #tpu.memory_space<hbm>>
        %dma_start3A_262 = arith.constant 0 : i32
        %dma_start3A_263 = tpu.memref_slice %arg8[%run_scoped3A_244, %dma_start3A_262] : memref<2x128xi32, #tpu.memory_space<vmem>> -> memref<1x128xi32, #tpu.memory_space<vmem>>
        %dma_start3A_264 = tpu.memref_squeeze %dma_start3A_263 : memref<1x128xi32, #tpu.memory_space<vmem>> -> memref<128xi32, #tpu.memory_space<vmem>>
        %dma_start3A_265 = tpu.memref_slice %arg4[%mul3A_242] : memref<320000xi32, #tpu.memory_space<hbm>> -> memref<128xi32, #tpu.memory_space<hbm>>
        tpu.enqueue_dma source(%dma_start3A_265 : memref<128xi32, #tpu.memory_space<hbm>>) target(%dma_start3A_264 : memref<128xi32, #tpu.memory_space<vmem>>) target_semaphore(%run_scoped3A_257 : memref<!tpu.dma_semaphore, #tpu.memory_space<semaphore_mem>>)
        %dma_wait3A_266 = arith.constant 0 : i32
        %dma_wait3A_267 = tpu.memref_slice %arg8[%run_scoped3A_244, %dma_wait3A_266] : memref<2x128xi32, #tpu.memory_space<vmem>> -> memref<1x128xi32, #tpu.memory_space<vmem>>
        %dma_wait3A_268 = tpu.memref_squeeze %dma_wait3A_267 : memref<1x128xi32, #tpu.memory_space<vmem>> -> memref<128xi32, #tpu.memory_space<vmem>>
        %dma_wait3A_269 = tpu.memref_slice %arg4[%mul3A_242] : memref<320000xi32, #tpu.memory_space<hbm>> -> memref<128xi32, #tpu.memory_space<hbm>>
        %dma_wait3A_270 = arith.constant 0 : i32
        %dma_wait3A_271 = tpu.memref_slice %arg8[%run_scoped3A_244, %dma_wait3A_270] : memref<2x128xi32, #tpu.memory_space<vmem>> -> memref<1x128xi32, #tpu.memory_space<vmem>>
        %dma_wait3A_272 = tpu.memref_squeeze %dma_wait3A_271 : memref<1x128xi32, #tpu.memory_space<vmem>> -> memref<128xi32, #tpu.memory_space<vmem>>
        %dma_wait3A_273 = tpu.memref_slice %arg4[%mul3A_242] : memref<320000xi32, #tpu.memory_space<hbm>> -> memref<128xi32, #tpu.memory_space<hbm>>
        tpu.wait_dma2 semaphore(%run_scoped3A_257 : memref<!tpu.dma_semaphore, #tpu.memory_space<semaphore_mem>>) src(%dma_wait3A_273 : memref<128xi32, #tpu.memory_space<hbm>>) dst(%dma_wait3A_272 : memref<128xi32, #tpu.memory_space<vmem>>)
        tpu.yield
      }) : () -> ()
      %dma_start3A_245 = arith.constant 1 : i32
      %dma_start3A_246 = arith.constant 1 : i32
      %dma_start3A_247 = arith.constant 0 : i32
      %dma_start3A_248 = arith.constant 0 : i32
      %dma_start3A_249 = tpu.memref_slice %arg9[%dma_start3A_246, %dma_start3A_247, %dma_start3A_248] : memref<2x128x128xf32, #tpu.memory_space<vmem>> -> memref<1x128x128xf32, #tpu.memory_space<vmem>>
      %dma_start3A_250 = tpu.memref_squeeze %dma_start3A_249 : memref<1x128x128xf32, #tpu.memory_space<vmem>> -> memref<128x128xf32, #tpu.memory_space<vmem>>
      %dma_start3A_251 = arith.constant 0 : i32
      %dma_start3A_252 = tpu.memref_slice %arg7[%dma_start3A_245, %dma_start3A_251] : memref<2x128xi32, #tpu.memory_space<vmem>> -> memref<1x128xi32, #tpu.memory_space<vmem>>
      %dma_start3A_253 = tpu.memref_squeeze %dma_start3A_252 : memref<1x128xi32, #tpu.memory_space<vmem>> -> memref<128xi32, #tpu.memory_space<vmem>>
      %dma_start3A_254 = arith.constant 0 : i32
      %dma_start3A_255 = arith.constant 0 : i32
      %dma_start3A_256 = tpu.memref_slice %arg2[%dma_start3A_254, %dma_start3A_255] : memref<10000x128xf32, #tpu.memory_space<hbm>> -> memref<10000x128xf32, #tpu.memory_space<hbm>>
      tpu.enqueue_indirect_dma source(%dma_start3A_256 : memref<10000x128xf32, #tpu.memory_space<hbm>>) target(%dma_start3A_250 : memref<128x128xf32, #tpu.memory_space<vmem>>) offsets(%dma_start3A_253 : memref<128xi32, #tpu.memory_space<vmem>>) semaphore(%arg13 : memref<!tpu.dma_semaphore, #tpu.memory_space<semaphore_mem>>)
    }
    %dma_wait3A = arith.constant 0 : i32
    %dma_wait3A_96 = arith.constant 0 : i32
    %dma_wait3A_97 = arith.constant 0 : i32
    %dma_wait3A_98 = arith.constant 0 : i32
    %dma_wait3A_99 = tpu.memref_slice %arg9[%dma_wait3A_96, %dma_wait3A_97, %dma_wait3A_98] : memref<2x128x128xf32, #tpu.memory_space<vmem>> -> memref<1x128x128xf32, #tpu.memory_space<vmem>>
    %dma_wait3A_100 = tpu.memref_squeeze %dma_wait3A_99 : memref<1x128x128xf32, #tpu.memory_space<vmem>> -> memref<128x128xf32, #tpu.memory_space<vmem>>
    %dma_wait3A_101 = arith.constant 0 : i32
    %dma_wait3A_102 = tpu.memref_slice %arg7[%dma_wait3A, %dma_wait3A_101] : memref<2x128xi32, #tpu.memory_space<vmem>> -> memref<1x128xi32, #tpu.memory_space<vmem>>
    %dma_wait3A_103 = tpu.memref_squeeze %dma_wait3A_102 : memref<1x128xi32, #tpu.memory_space<vmem>> -> memref<128xi32, #tpu.memory_space<vmem>>
    %dma_wait3A_104 = arith.constant 0 : i32
    %dma_wait3A_105 = arith.constant 0 : i32
    %dma_wait3A_106 = tpu.memref_slice %arg2[%dma_wait3A_104, %dma_wait3A_105] : memref<10000x128xf32, #tpu.memory_space<hbm>> -> memref<10000x128xf32, #tpu.memory_space<hbm>>
    tpu.wait_indirect_dma semaphore(%arg12 : memref<!tpu.dma_semaphore, #tpu.memory_space<semaphore_mem>>) src(%dma_wait3A_106 : memref<10000x128xf32, #tpu.memory_space<hbm>>) dst(%dma_wait3A_100 : memref<128x128xf32, #tpu.memory_space<vmem>>)
    %dma_wait3A_107 = arith.constant 1 : i32
    %dma_wait3A_108 = arith.constant 1 : i32
    %dma_wait3A_109 = arith.constant 0 : i32
    %dma_wait3A_110 = arith.constant 0 : i32
    %dma_wait3A_111 = tpu.memref_slice %arg9[%dma_wait3A_108, %dma_wait3A_109, %dma_wait3A_110] : memref<2x128x128xf32, #tpu.memory_space<vmem>> -> memref<1x128x128xf32, #tpu.memory_space<vmem>>
    %dma_wait3A_112 = tpu.memref_squeeze %dma_wait3A_111 : memref<1x128x128xf32, #tpu.memory_space<vmem>> -> memref<128x128xf32, #tpu.memory_space<vmem>>
    %dma_wait3A_113 = arith.constant 0 : i32
    %dma_wait3A_114 = tpu.memref_slice %arg7[%dma_wait3A_107, %dma_wait3A_113] : memref<2x128xi32, #tpu.memory_space<vmem>> -> memref<1x128xi32, #tpu.memory_space<vmem>>
    %dma_wait3A_115 = tpu.memref_squeeze %dma_wait3A_114 : memref<1x128xi32, #tpu.memory_space<vmem>> -> memref<128xi32, #tpu.memory_space<vmem>>
    %dma_wait3A_116 = arith.constant 0 : i32
    %dma_wait3A_117 = arith.constant 0 : i32
    %dma_wait3A_118 = tpu.memref_slice %arg2[%dma_wait3A_116, %dma_wait3A_117] : memref<10000x128xf32, #tpu.memory_space<hbm>> -> memref<10000x128xf32, #tpu.memory_space<hbm>>
    tpu.wait_indirect_dma semaphore(%arg13 : memref<!tpu.dma_semaphore, #tpu.memory_space<semaphore_mem>>) src(%dma_wait3A_118 : memref<10000x128xf32, #tpu.memory_space<hbm>>) dst(%dma_wait3A_112 : memref<128x128xf32, #tpu.memory_space<vmem>>)
    %barrier3A_119 = arith.constant 0 : index
    tpu.barrier barrier_id(%barrier3A_119)
    "tpu.region"() ({
      %run_scoped3A_122 = tpu.sem_alloc : memref<!tpu.dma_semaphore, #tpu.memory_space<semaphore_mem>>
      %dma_start3A_123 = arith.constant 0 : i32
      %dma_start3A_124 = tpu.memref_slice %arg5[%arg0, %mul3A_2, %dma_start3A_123] : memref<2x10112x128xf32, #tpu.memory_space<hbm>> -> memref<1x632x128xf32, #tpu.memory_space<hbm>>
      %dma_start3A_125 = tpu.memref_squeeze %dma_start3A_124 : memref<1x632x128xf32, #tpu.memory_space<hbm>> -> memref<632x128xf32, #tpu.memory_space<hbm>>
      %dma_start3A_126 = arith.constant 0 : i32
      %dma_start3A_127 = tpu.memref_slice %arg11[%mul3A_2, %dma_start3A_126] : memref<10112x128xf32, #tpu.memory_space<vmem_shared>> -> memref<632x128xf32, #tpu.memory_space<vmem_shared>>
      tpu.enqueue_dma source(%dma_start3A_127 : memref<632x128xf32, #tpu.memory_space<vmem_shared>>) target(%dma_start3A_125 : memref<632x128xf32, #tpu.memory_space<hbm>>) target_semaphore(%run_scoped3A_122 : memref<!tpu.dma_semaphore, #tpu.memory_space<semaphore_mem>>)
      %dma_wait3A_128 = arith.constant 0 : i32
      %dma_wait3A_129 = tpu.memref_slice %arg5[%arg0, %mul3A_2, %dma_wait3A_128] : memref<2x10112x128xf32, #tpu.memory_space<hbm>> -> memref<1x632x128xf32, #tpu.memory_space<hbm>>
      %dma_wait3A_130 = tpu.memref_squeeze %dma_wait3A_129 : memref<1x632x128xf32, #tpu.memory_space<hbm>> -> memref<632x128xf32, #tpu.memory_space<hbm>>
      %dma_wait3A_131 = arith.constant 0 : i32
      %dma_wait3A_132 = tpu.memref_slice %arg11[%mul3A_2, %dma_wait3A_131] : memref<10112x128xf32, #tpu.memory_space<vmem_shared>> -> memref<632x128xf32, #tpu.memory_space<vmem_shared>>
      tpu.wait_dma2 semaphore(%run_scoped3A_122 : memref<!tpu.dma_semaphore, #tpu.memory_space<semaphore_mem>>) src(%dma_wait3A_132 : memref<632x128xf32, #tpu.memory_space<vmem_shared>>) dst(%dma_wait3A_130 : memref<632x128xf32, #tpu.memory_space<hbm>>)
      tpu.yield
    }) : () -> ()
    %mul3A_120 = arith.constant 10112 : i32
    %mul3A_121 = arith.muli %add3A, %mul3A_120 : i32
    "tpu.region"() ({
      %run_scoped3A_122 = tpu.sem_alloc : memref<!tpu.dma_semaphore, #tpu.memory_space<semaphore_mem>>
      %dma_start3A_123 = tpu.memref_slice %arg6[%mul3A_121] : memref<323584xf32, #tpu.memory_space<hbm>> -> memref<10112xf32, #tpu.memory_space<hbm>>
      %dma_start3A_124 = tpu.memref_slice %arg6[%mul3A_121] : memref<323584xf32, #tpu.memory_space<hbm>> -> memref<10112xf32, #tpu.memory_space<hbm>>
      tpu.enqueue_dma source(%arg10 : memref<10112xf32, #tpu.memory_space<vmem>>) target(%dma_start3A_124 : memref<10112xf32, #tpu.memory_space<hbm>>) target_semaphore(%run_scoped3A_122 : memref<!tpu.dma_semaphore, #tpu.memory_space<semaphore_mem>>)
      %dma_wait3A_125 = tpu.memref_slice %arg6[%mul3A_121] : memref<323584xf32, #tpu.memory_space<hbm>> -> memref<10112xf32, #tpu.memory_space<hbm>>
      %dma_wait3A_126 = tpu.memref_slice %arg6[%mul3A_121] : memref<323584xf32, #tpu.memory_space<hbm>> -> memref<10112xf32, #tpu.memory_space<hbm>>
      tpu.wait_dma2 semaphore(%run_scoped3A_122 : memref<!tpu.dma_semaphore, #tpu.memory_space<semaphore_mem>>) src(%arg10 : memref<10112xf32, #tpu.memory_space<vmem>>) dst(%dma_wait3A_126 : memref<10112xf32, #tpu.memory_space<hbm>>)
      tpu.yield
    }) : () -> ()
    return
  }
}

module attributes {stable_mosaic.version = 14 : i64} {
  func.func @_tc_out_body(%arg0: memref<10000x128xf32, #tpu.memory_space<vmem>>, %arg1: memref<2x10112x128xf32, #tpu.memory_space<vmem>>, %arg2: memref<32x10112xf32, #tpu.memory_space<vmem>>, %arg3: memref<128x128xf32, #tpu.memory_space<vmem>>, %arg4: memref<1x128xf32, #tpu.memory_space<vmem>>, %arg5: memref<128x128xf32, #tpu.memory_space<vmem>>, %arg6: memref<1x128xf32, #tpu.memory_space<vmem>>, %arg7: memref<1x1xf32, #tpu.memory_space<vmem>>, %arg8: memref<10000x128xf32, #tpu.memory_space<vmem>>) attributes {dimension_semantics = [], scalar_prefetch = 0 : i64, scratch_operands = 0 : i64, tpu.core_type = #tpu.core_type<tc>} {
    %get3A = arith.constant 0 : index
    %get3A_0 = arith.constant 0 : index
    %get3A_1 = arith.constant 0 : index
    %get3A_2 = vector.load %arg1[%get3A, %get3A_0, %get3A_1] : memref<2x10112x128xf32, #tpu.memory_space<vmem>>, vector<1x10000x128xf32>
    %get3A_3 = vector.shape_cast %get3A_2 : vector<1x10000x128xf32> to vector<10000x128xf32>
    %get3A_4 = arith.constant 1 : index
    %get3A_5 = arith.constant 0 : index
    %get3A_6 = arith.constant 0 : index
    %get3A_7 = vector.load %arg1[%get3A_4, %get3A_5, %get3A_6] : memref<2x10112x128xf32, #tpu.memory_space<vmem>>, vector<1x10000x128xf32>
    %get3A_8 = vector.shape_cast %get3A_7 : vector<1x10000x128xf32> to vector<10000x128xf32>
    %add3A = arith.addf %get3A_3, %get3A_8 : vector<10000x128xf32>
    %get3A_9 = arith.constant 0 : index
    %get3A_10 = arith.constant 0 : index
    %get3A_11 = vector.load %arg2[%get3A_9, %get3A_10] : memref<32x10112xf32, #tpu.memory_space<vmem>>, vector<32x10112xf32>
    %reduce_sum3A = arith.constant dense<0.000000e+00> : vector<10112xf32>
    %reduce_sum3A_12 = vector.multi_reduction <add>, %get3A_11, %reduce_sum3A [0] : vector<32x10112xf32> to vector<10112xf32>
    %slice3A = vector.extract_strided_slice %reduce_sum3A_12 {offsets = [0], sizes = [10000], strides = [1]} : vector<10112xf32> to vector<10000xf32>
    %get3A_13 = arith.constant 0 : index
    %get3A_14 = arith.constant 0 : index
    %get3A_15 = vector.load %arg3[%get3A_13, %get3A_14] : memref<128x128xf32, #tpu.memory_space<vmem>>, vector<128x128xf32>
    %get3A_16 = arith.constant 0 : index
    %get3A_17 = arith.constant 0 : index
    %get3A_18 = vector.load %arg5[%get3A_16, %get3A_17] : memref<128x128xf32, #tpu.memory_space<vmem>>, vector<128x128xf32>
    %get3A_19 = arith.constant 0 : index
    %get3A_20 = arith.constant 0 : index
    %get3A_21 = vector.load %arg4[%get3A_19, %get3A_20] : memref<1x128xf32, #tpu.memory_space<vmem>>, vector<1x128xf32>
    %get3A_22 = arith.constant 0 : index
    %get3A_23 = arith.constant 0 : index
    %get3A_24 = vector.load %arg6[%get3A_22, %get3A_23] : memref<1x128xf32, #tpu.memory_space<vmem>>, vector<1x128xf32>
    %dot_general3A = arith.constant dense<0.000000e+00> : vector<128x128xf32>
    %dot_general3A_25 = tpu.matmul %get3A_18, %get3A_15, %dot_general3A {dimension_numbers = #tpu.dot_dimension_numbers<[1], [0], [0], [1], [0, 0, 1, 1], [], []>, transpose_lhs_hint = false} : vector<128x128xf32>, vector<128x128xf32>, vector<128x128xf32> -> vector<128x128xf32>
    %dot_general3A_26 = arith.constant dense<0.000000e+00> : vector<10000x128xf32>
    %dot_general3A_27 = tpu.matmul %add3A, %dot_general3A_25, %dot_general3A_26 {dimension_numbers = #tpu.dot_dimension_numbers<[1], [1], [0], [0], [0, 0, 1, 0], [], []>, transpose_lhs_hint = false} : vector<10000x128xf32>, vector<128x128xf32>, vector<10000x128xf32> -> vector<10000x128xf32>
    %dot_general3A_28 = arith.constant dense<0.000000e+00> : vector<1x128xf32>
    %dot_general3A_29 = tpu.matmul %get3A_21, %get3A_18, %dot_general3A_28 {dimension_numbers = #tpu.dot_dimension_numbers<[1], [1], [0], [0], [0, 0, 1, 0], [], []>, transpose_lhs_hint = false} : vector<1x128xf32>, vector<128x128xf32>, vector<1x128xf32> -> vector<1x128xf32>
    %add3A_30 = arith.addf %dot_general3A_29, %get3A_24 : vector<1x128xf32>
    %max3A = arith.constant 1.000000e+00 : f32
    %max3A_31 = vector.broadcast %max3A : f32 to vector<10000xf32>
    %max3A_32 = arith.maximumf %slice3A, %max3A_31 : vector<10000xf32>
    %broadcast_in_dim3A = vector.shape_cast %max3A_32 : vector<10000xf32> to vector<10000x1xf32>
    %broadcast_in_dim3A_33 = vector.shape_cast %slice3A : vector<10000xf32> to vector<10000x1xf32>
    %mul3A = vector.broadcast %broadcast_in_dim3A_33 : vector<10000x1xf32> to vector<10000x128xf32>
    %mul3A_34 = vector.broadcast %add3A_30 : vector<1x128xf32> to vector<10000x128xf32>
    %mul3A_35 = arith.mulf %mul3A, %mul3A_34 : vector<10000x128xf32>
    %add3A_36 = arith.addf %dot_general3A_27, %mul3A_35 : vector<10000x128xf32>
    %div3A = vector.broadcast %broadcast_in_dim3A : vector<10000x1xf32> to vector<10000x128xf32>
    %div3A_37 = arith.divf %add3A_36, %div3A : vector<10000x128xf32>
    %get3A_38 = arith.constant 0 : index
    %get3A_39 = arith.constant 0 : index
    %get3A_40 = vector.load %arg7[%get3A_38, %get3A_39] : memref<1x1xf32, #tpu.memory_space<vmem>>, vector<1x1xf32>
    %get3A_41 = vector.extract %get3A_40[0, 0] : f32 from vector<1x1xf32>
    %neg3A = arith.constant 0.000000e+00 : f32
    %neg3A_42 = arith.subf %neg3A, %get3A_41 : f32
    %exp3A = math.exp %neg3A_42 : f32
    %add3A_43 = arith.constant 1.000000e+00 : f32
    %add3A_44 = arith.addf %add3A_43, %exp3A : f32
    %div3A_45 = arith.constant 1.000000e+00 : f32
    %div3A_46 = arith.divf %div3A_45, %add3A_44 : f32
    %get3A_47 = arith.constant 0 : index
    %get3A_48 = arith.constant 0 : index
    %get3A_49 = vector.load %arg0[%get3A_47, %get3A_48] : memref<10000x128xf32, #tpu.memory_space<vmem>>, vector<10000x128xf32>
    %mul3A_50 = vector.broadcast %div3A_46 : f32 to vector<10000x128xf32>
    %mul3A_51 = arith.mulf %mul3A_50, %div3A_37 : vector<10000x128xf32>
    %sub3A = arith.subf %get3A_49, %mul3A_51 : vector<10000x128xf32>
    %swap3A = arith.constant 0 : index
    %swap3A_52 = arith.constant 0 : index
    %swap3A_53 = vector.load %arg8[%swap3A, %swap3A_52] : memref<10000x128xf32, #tpu.memory_space<vmem>>, vector<10000x128xf32>
    tpu.vector_store %arg8[%swap3A, %swap3A_52], %sub3A {strides = array<i32>} : memref<10000x128xf32, #tpu.memory_space<vmem>>, vector<10000x128xf32>,
    return
  }
}

module attributes {stable_mosaic.version = 14 : i64} {
  func.func @_tc_xt_body(%arg0: memref<10000x128xf32, #tpu.memory_space<vmem>>, %arg1: memref<128x128xf32, #tpu.memory_space<vmem>>, %arg2: memref<1x128xf32, #tpu.memory_space<vmem>>, %arg3: memref<10000x128xf32, #tpu.memory_space<vmem>>) attributes {dimension_semantics = [], scalar_prefetch = 0 : i64, scratch_operands = 0 : i64, tpu.core_type = #tpu.core_type<tc>} {
    %get3A = arith.constant 0 : index
    %get3A_0 = arith.constant 0 : index
    %get3A_1 = vector.load %arg0[%get3A, %get3A_0] : memref<10000x128xf32, #tpu.memory_space<vmem>>, vector<10000x128xf32>
    %get3A_2 = arith.constant 0 : index
    %get3A_3 = arith.constant 0 : index
    %get3A_4 = vector.load %arg1[%get3A_2, %get3A_3] : memref<128x128xf32, #tpu.memory_space<vmem>>, vector<128x128xf32>
    %dot_general3A = arith.constant dense<0.000000e+00> : vector<10000x128xf32>
    %dot_general3A_5 = tpu.matmul %get3A_1, %get3A_4, %dot_general3A {dimension_numbers = #tpu.dot_dimension_numbers<[1], [1], [0], [0], [0, 0, 1, 0], [], []>, transpose_lhs_hint = false} : vector<10000x128xf32>, vector<128x128xf32>, vector<10000x128xf32> -> vector<10000x128xf32>
    %get3A_6 = arith.constant 0 : index
    %get3A_7 = arith.constant 0 : index
    %get3A_8 = vector.load %arg2[%get3A_6, %get3A_7] : memref<1x128xf32, #tpu.memory_space<vmem>>, vector<1x128xf32>
    %add3A = vector.broadcast %get3A_8 : vector<1x128xf32> to vector<10000x128xf32>
    %add3A_9 = arith.addf %dot_general3A_5, %add3A : vector<10000x128xf32>
    %swap3A = arith.constant 0 : index
    %swap3A_10 = arith.constant 0 : index
    %swap3A_11 = vector.load %arg3[%swap3A, %swap3A_10] : memref<10000x128xf32, #tpu.memory_space<vmem>>, vector<10000x128xf32>
    tpu.vector_store %arg3[%swap3A, %swap3A_10], %add3A_9 {strides = array<i32>} : memref<10000x128xf32, #tpu.memory_space<vmem>>, vector<10000x128xf32>,
    return
  }
}

</mosaic_0001>

<sc_bundles>
// kernel: kernel.5.cloned.1.call-start
scs
__scs_entry_jumppad:
0x0: {  	(pc) =	sbr.rel $0x88, $3  }
0x1: {  	(tag) =	ssettag $0x0;
	lr =	simm.s32 $0x1  }
0x2: {  	[smem:$0x3F9A] =	sst lr;
	_ =	strace $0xD0000000  }
0x3: {  	_ = 	snop  }
0x4: {  	_ = 	snop  }
0x5: {  	_ = 	snop  }
0x6: {  	_ = 	snop  }
0x7: {  	_ = 	snop  }
__scs_overlays_trampoline_lowered:
0x8: {  	[smem:$0x3FA9] =	sst s0  }
0x9: {  	[smem:$0x3FAA] =	sst s1  }
0xa: {  	[smem:$0x3FAB] =	sst s2  }
0xb: {  	[smem:$0x3FAC] =	sst s3  }
0xc: {  	[smem:$0x3FAD] =	sst s4  }
0xd: {  	[smem:$0x3FAE] =	sst s5  }
0xe: {  	[smem:$0x3FAF] =	sst s6  }
0xf: {  	[smem:$0x3FB0] =	sst s7  }
0x10: {  	[smem:$0x3FB1] =	sst s8  }
0x11: {  	[smem:$0x3FB2] =	sst s9;
	s0 =	simm.s32 @!p0 $0x0  }
0x12: {  	s1 =	sld [smem:$0x3F98];
	s0 =	simm.s32 @p0 $0x1  }
0x13: {  	[smem:$0x3FB3] =	sst s0;
	s0 =	simm.s32 @!p1 $0x0  }
0x14: {  	s2 =	sld [smem:$0x3F97];
	s0 =	simm.s32 @p1 $0x1  }
0x15: {  	[smem:$0x3FB4] =	sst s0;
	s0 =	simm.s32 @!p2 $0x0  }
0x16: {  	s3 =	sld [smem:$0x3FDB];
	s0 =	simm.s32 @p2 $0x1  }
0x17: {  	s4 =	simm.s32 $0x1BF5;
	[smem:$0x3FB6] =	sst s0  }
0x18: {  	s0 =	sld [smem:$0x3F99];
	_ =	swait.ge [sflag:s4], $0x0  }
0x19: {  	s7 =	sld [smem:$0x3F9A]  }
0x1a: {  	s8 =	sadd.s32 $0xFFFFE003, lr  }
0x1b: {  	s9 =	sadd.s32 $0xFFFFFEF7, lr;
	s5 =	simm.s32 $0xFFFFFFFF;
	p2 =	slt.u32 s8, $0xFFFFF086  }
0x1c: {  	p1 =	slt.u32 s9, $0xF7A;
	s5 =	simm.s32 @!p2 $0x0  }
0x1d: {  	s5 =	simm.s32 @p1 $0x1;
	p0 =	seq.s32 s7, s2  }
0x1e: {  	s7 =	smul.u32 @!p0 $0xF7A, s2;
	p2 =	seq.s32 @!p0 s5, $0x0  }
0x1f: {  	s9 =	smul.u32 $0xF7A, s1;
	s8 =	simm.s32 @!p0 $0x1BF5;
	p2 =	por !p2, p0  }
0x20: {  	[sflag:s8] =	ssyncset.s32 @!p0 $0xFFFFF086;
	s6 =	sadd.s32 @!p0 s3, s7;
	s7 =	simm.s32 @!p0 $0x108  }
0x21: {  	s3 =	sadd.s32 s3, s9;
	s6 =	sadd.s32 @!p0 $0x88, s6;
	s7 =	simm.s32 @p2 $0x1082  }
0x22: {  	[simem:s7], [sflag:s8] =	dma.local @!p0 [hbm:s6], $0xF7A  }
0x23: {  	s9 =	sor.u32 $0xD0000000, s2;
	s6 =	simm.s32 $0x108;
	_ =	swait.ge @!p0 [sflag:s8], $0x0  }
0x24: {  	s3 =	sadd.s32 $0x88, s3;
	s6 =	simm.s32 @!p1 $0x1082;
	[sflag:s4] =	ssyncset.s32 $0xFFFFF086  }
0x25: {  	[simem:s6], [sflag:s4] =	dma.local [hbm:s3], $0xF7A  }
0x26: {  	[smem:$0x3F9A] =	sst s1;
	(tag) =	ssettag s2;
	_ =	strace s9  }
0x27: {  	s1 =	sld [smem:$0x3FAA]  }
0x28: {  	s2 =	sld [smem:$0x3FAB]  }
0x29: {  	s4 =	sld [smem:$0x3FAD]  }
0x2a: {  	p0 =	seq.s32 s5, $0x0;
	s5 =	sld [smem:$0x3FAE]  }
0x2b: {  	s6 =	sld [smem:$0x3FAF]  }
0x2c: {  	s7 =	sld [smem:$0x3FB0]  }
0x2d: {  	s3 =	simm.s32 $0x108;
	s8 =	sld [smem:$0x3FB1]  }
0x2e: {  	s3 =	simm.s32 @!p0 $0x1082;
	s9 =	sld [smem:$0x3FB2]  }
0x2f: {  	lr =	sadd.s32 s0, s3;
	s0 =	sld [smem:$0x3FA9]  }
0x30: {  	s3 =	sld [smem:$0x3FAC]  }
0x31: {  	[smem:$0x3FB5] =	sst s10  }
0x32: {  	s10 =	sld [smem:$0x3FB3];
	_ =	sdelay $0x3  }
0x33: {  	p0 =	seq.s32 s10, $0x1;
	s10 =	sld [smem:$0x3FB5];
	_ =	sdelay $0x3  }
0x34: {  	[smem:$0x3FB5] =	sst s10  }
0x35: {  	s10 =	sld [smem:$0x3FB4];
	_ =	sdelay $0x3  }
0x36: {  	p1 =	seq.s32 s10, $0x1;
	s10 =	sld [smem:$0x3FB5];
	_ =	sdelay $0x3  }
0x37: {  	[smem:$0x3FB5] =	sst s10  }
0x38: {  	s10 =	sld [smem:$0x3FB6]  }
0x39: {  	_ = 	snop;
	(pc) =	sbr.ind lr, $3  }
0x3a: {  	_ = 	snop  }
0x3b: {  	_ = 	snop  }
0x3c: {  	p2 =	seq.s32 s10, $0x1;
	s10 =	sld [smem:$0x3FB5]  }
0x3d: {  	_ =	shalt  }
0x3e: {  	_ =	shalt  }
0x3f: {  	_ =	shalt  }
0x40: {  	_ =	shalt  }
0x41: {  	_ =	shalt  }
0x42: {  	_ =	shalt  }
0x43: {  	_ =	shalt  }
0x44: {  	_ =	shalt  }
0x45: {  	_ =	shalt  }
0x46: {  	_ =	shalt  }
0x47: {  	_ =	shalt  }
0x48: {  	_ =	shalt  }
0x49: {  	_ =	shalt  }
0x4a: {  	_ =	shalt  }
0x4b: {  	_ =	shalt  }
0x4c: {  	_ =	shalt  }
0x4d: {  	_ =	shalt  }
0x4e: {  	_ =	shalt  }
0x4f: {  	_ =	shalt  }
0x50: {  	_ =	shalt  }
0x51: {  	_ =	shalt  }
0x52: {  	_ =	shalt  }
0x53: {  	_ =	shalt  }
0x54: {  	_ =	shalt  }
0x55: {  	_ =	shalt  }
0x56: {  	_ =	shalt  }
0x57: {  	_ =	shalt  }
0x58: {  	_ =	shalt  }
0x59: {  	_ =	shalt  }
0x5a: {  	_ =	shalt  }
0x5b: {  	_ =	shalt  }
0x5c: {  	_ =	shalt  }
0x5d: {  	_ =	shalt  }
0x5e: {  	_ =	shalt  }
0x5f: {  	_ =	shalt  }
0x60: {  	_ =	shalt  }
0x61: {  	_ =	shalt  }
0x62: {  	_ =	shalt  }
0x63: {  	_ =	shalt  }
0x64: {  	_ =	shalt  }
0x65: {  	_ =	shalt  }
0x66: {  	_ =	shalt  }
0x67: {  	_ =	shalt  }
0x68: {  	_ =	shalt  }
0x69: {  	_ =	shalt  }
0x6a: {  	_ =	shalt  }
0x6b: {  	_ =	shalt  }
0x6c: {  	_ =	shalt  }
0x6d: {  	_ =	shalt  }
0x6e: {  	_ =	shalt  }
0x6f: {  	_ =	shalt  }
0x70: {  	_ =	shalt  }
0x71: {  	_ =	shalt  }
0x72: {  	_ =	shalt  }
0x73: {  	_ =	shalt  }
0x74: {  	_ =	shalt  }
0x75: {  	_ =	shalt  }
0x76: {  	_ =	shalt  }
0x77: {  	_ =	shalt  }
0x78: {  	_ =	shalt  }
0x79: {  	_ =	shalt  }
0x7a: {  	_ =	shalt  }
0x7b: {  	_ =	shalt  }
0x7c: {  	_ =	shalt  }
0x7d: {  	_ =	shalt  }
0x7e: {  	_ =	shalt  }
0x7f: {  	_ =	shalt  }
0x80: {  	_ =	shalt  }
0x81: {  	_ =	shalt  }
0x82: {  	_ =	shalt  }
0x83: {  	_ =	shalt  }
0x84: {  	_ =	shalt  }
0x85: {  	_ =	shalt  }
0x86: {  	_ =	shalt  }
0x87: {  	_ =	shalt  }
.Lfunc_end0:
.L_simem_size_0:
called_computation_lowered:
.L_overlay_start_0:
0x88: {  	s2 =	sld [smem:$0x3FD9]  }
0x89: {  	s3 =	sld [smem:$0x3FFE];
	_ =	sdelay $0x1  }
0x8a: {  	s1 =	srdreg.scid  }
0x8b: {  	s0 =	sand.u32 $0x1, s1  }
0x8c: {  	s17 =	sshll.u32 s0, $0xA;
	s2 =	sadd.s32 s3, s2  }
0x8d: {  	s2 =	sadd.s32 s2, s17  }
0x8e: {  	[smem:$0x3FC1] =	sst s2  }
0x8f: {  	_ = 	snop  }
0x90: {  	s2 =	sld [smem:$0x3FC9]  }
0x91: {  	s18 =	sld [smem:$0x3FD0];
	(tm) =	ssettm $0x1  }
0x92: {  	s4 =	sld [smem:$0x3FFB];
	_ =	sdelay $0x3  }
0x93: {  	_ =	strace s4  }
0x94: {  	s4 =	sld [smem:$0x3FFC];
	_ =	sdelay $0x3  }
0x95: {  	_ =	strace s4  }
0x96: {  	s4 =	sld [smem:$0x3FFD];
	_ =	sdelay $0x3  }
0x97: {  	_ =	strace s4  }
0x98: {  	_ =	strace $0x8FFFFFFF  }
0x99: {  	s19 =	sld [smem:$0x3FDB];
	_ =	sdelay $0x1  }
0x9a: {  	s5 =	simm.s32 $_scs_section_size  }
0x9b: {  	s6 =	simm.s32 $_size__tile_overlayer_lowered;
	s7 =	simm.s32 $_tile_overlayer_lowered  }
0x9c: {  	s22 =	simm.s32 $0x1BFF;
	s21 =	sshll.u32 s7, $0x1;
	s4 =	sadd.s32 s5, s19  }
0x9d: {  	s8 =	simm.s32 $0x0;
	s20 =	sshll.u32 s6, $0x1;
	s6 =	sadd.s32 s21, s4  }
0x9e: {  	[timem:s8], [sflag:s22] =	dma.local [hbm:s6], s20  }
0x9f: {  	_ =	swait.ge [sflag:s22], s20  }
0xa0: {  	s5 =	ssub.s32 $0x0, s20;
	[sflag:s22] =	ssyncset.done $0x0  }
0xa1: {  	[sflag:s22] =	ssyncadd.s32 s5;
	_ =	sdelay $0x1  }
0xa2: {  	s23 =	simm.s32 $0x1B8B  }
0xa3: {  	_ =	swait.ge [sflag:s23], $0x1  }
0xa4: {  	[sflag:s23] =	ssyncset.done $0x0  }
0xa5: {  	s25 =	simm.s32 $0x1B8E;
	s24 =	sld [smem:$0x3FFE];
	[sflag:s23] =	ssyncadd.s32 $0xFFFFFFFF  }
0xa6: {  	s26 =	simm.s32 $execute0_lowered;
	[smem:$0x3FD2] =	sst s25  }
0xa7: {  	s6 =	sshll.u32 s26, $0x1;
	_ =	strace $0x80000046;
	[dreg:$0x1] =	wrdreg $0xFFFFFFFF  }
0xa8: {  	s28 =	simm.s32 $_size_execute0_lowered;
	s4 =	sadd.s32 s4, s6;
	[dreg:$0x0] =	wrdreg $0x0  }
0xa9: {  	s6 =	sshll.u32 s28, $0x1;
	[dreg:$0x2] =	wrdreg s4  }
0xaa: {  	[dreg:$0x3] =	wrdreg s6  }
0xab: {  	[dreg:$0x4] =	wrdreg $0xC0  }
0xac: {  	_ =	task [dreg:s8], $0x5FFFF  }
0xad: {  	[dreg:$0x1] =	wrdreg $0xFFFFFFFF  }
0xae: {  	[dreg:$0x0] =	wrdreg $0x60  }
0xaf: {  	[dreg:$0x2] =	wrdreg s2  }
0xb0: {  	[dreg:$0x3] =	wrdreg s24  }
0xb1: {  	[dreg:$0x4] =	wrdreg s18  }
0xb2: {  	[dreg:$0x5] =	wrdreg $0xA9800  }
0xb3: {  	[dreg:$0x6] =	wrdreg $0x9  }
0xb4: {  	_ =	task.clear_ibuf [dreg:s8], $0x7FFFF;
	_ =	strace $0x90000046  }
0xb5: {  	s29 =	simm.s32 $0x9;
	_ =	strace $0x80000048  }
0xb6: {  	_ =	swait.ge [sflag:s29], $0x1  }
0xb7: {  	[sflag:s29] =	ssyncadd.s32 $0xFFFFFFFF  }
0xb8: {  	_ =	strace $0x90000048  }
0xb9: {  	_ =	sfence  }
0xba: {  	s30 =	sld [smem:$0x0];
	_ =	sdelay $0x2  }
0xbb: {  	s31 =	sshll.u32 s1, $0xD;
	s1 =	sshrl.u32 s1, $0x2  }
0xbc: {  	s3 =	sand.u32 $0x4000, s31;
	s1 =	sadd.s32 s1, s30  }
0xbd: {  	s0 =	sor.u32 s3, s0;
	s1 =	sshll.u32 s1, $0x11  }
0xbe: {  	s0 =	sor.u32 s1, s0  }
0xbf: {  	s0 =	sadd.s32 $0x8F2B, s0  }
0xc0: {  	[sflag:s0] =	ssyncadd.remote.s32 $0x1  }
0xc1: {  	_ =	sfence.sel $0xFFFF  }
0xc2: {  	[dreg:$0x0] =	wrdreg $0xFFFFFFFF;
	(pc) =	sbr.abs _section_cstart, $3  }
0xc3: {  	[dreg:$0x1] =	wrdreg $0xFFFFFFFF  }
0xc4: {  	_ =	task.clear_ibuf [dreg:s8], $0x2FFFF;
	_ =	strace $0x9FFFFFFF  }
0xc5: {  	(tm) =	ssettm $0x7FFFFFFF  }
tec
execute0_lowered:
.L_overlay_start_1:
0x0: {  	(tag) =	ssettag $0x1  }
0x1: {  	s1 =	rddreg [dreg:$0x0]  }
0x2: {  	s0 =	rddreg [dreg:$0x1]  }
0x3: {  	s3 =	rddreg [dreg:$0x2]  }
0x4: {  	s2 =	rddreg [dreg:$0x3]  }
0x5: {  	s4 =	srdreg.scid;
	s11 =	stileid.u32;
	s28 =	simm.s32 $0x1  }
0x6: {  	s29 =	simm.s32 $0x8200;
	s30 =	simm.s32 $0x2;
	s7 =	smul.u32 $0x13C00, s11  }
0x7: {  	s31 =	simm.s32 $0x3;
	s8 =	sand.u32 $0x1, s4;
	s9 =	smul.u32 $0x4F000, s11  }
0x8: {  	s4 =	simm.s32 $0x0;
	s5 =	sadd.s32 $0xB000, s0;
	s17 =	smul.u32 $0x4E, s11  }
0x9: {  	s6 =	smul.u32 $0x13C000, s8;
	[smem:$0x7FF] =	sst s4;
	s10 =	ssub.s32 $0x2, s8  }
0xa: {  	s21 =	sshll.u32 s8, $0x4;
	s8 =	smul.u32 $0x4E0, s8;
	_ =	strace $0x80000047  }
0xb: {  	s20 =	sshrl.u32 s10, $0x1;
	s9 =	sshrl.u32 s9, $0x2;
	s16 =	sor.u32 s11, s21  }
0xc: {  	s21 =	simm.s32 $0x200;
	s7 =	sadd.s32 s7, s6;
	s6 =	sadd.s32 $0x1200, s0  }
0xd: {  	s12 =	ssub.s32 s10, s20;
	s13 =	smul.u32 $0x4E, s16;
	s24 =	smin.u32 s16, $0x2  }
0xe: {  	p0 =	slt.u32 s16, $0x2;
	s20 =	smul.u32 $0x4F0, s16;
	s8 =	sadd.s32 s17, s8  }
0xf: {  	s7 =	sshrl.u32 s7, $0x3;
	s18 =	sshll.u32 s24, $0x1;
	s24 =	simm.s32 $0x80  }
0x10: {  	s0 =	sadd.s32 s7, s0;
	s7 =	sadd.s32 s9, s2;
	s13 =	sadd.s32 s13, s18  }
0x11: {  	s26 =	sadd.s32 s18, s8;
	s18 =	sadd.s32 s3, s20;
	s3 =	simm.s32 $0x0  }
0x12: {  	s9 =	sadd.s32 $0x4000, s7;
	s22 =	sadd.s32 $0x8000, s7;
	s23 =	sadd.s32 $0xC000, s7  }
0x13: {  	s25 =	sadd.s32 $0x10000, s7;
	s15 =	sshll.u32 s13, $0x4;
	[dreg:$0x5] =	wrdreg s9  }
0x14: {  	s17 =	sadd.s32 $0x14E00, s0;
	s8 =	sadd.s32 $0x3, s26;
	[dreg:$0x6] =	wrdreg s22  }
0x15: {  	s26 =	simm.s32 $0x4200;
	s0 =	simm.s32 $0x4;
	[dreg:$0x7] =	wrdreg s23  }
0x16: {  	[dreg:$0x8] =	wrdreg s25;
	s9 =	simm.s32 $0x28;
	s13 =	sadd.s32 s5, s15  }
0x17: {  	s14 =	sadd.s32 s6, s15;
	s19 =	sor.u32 $0x10, s15;
	s22 =	simm.s32 $0x5  }
0x18: {  	s23 =	simm.s32 $0x100;
	s25 =	simm.s32 $0x180;
	s9 =	simm.s32 @!p0 $0x27  }
0x19: {  	v0 =	vimm.f32 $0.0e+00;
	v1 =	vimm.f32 $1.000000000e+00;
	s15 =	sadd.s32 s5, s19;
	s16 =	sadd.s32 s6, s19;
	s19 =	smax.u32 s12, $0x1  }
.LBB2_1:
0x1a: {  	s12 =	simm.s32 $0x0;
	s20 =	simm.s32 $0x200  }
.LBB2_2:
0x1b: {  	p0 =	sne.s32 s20, $0xFE00;
	[tilespmem:s12+$0x270] =	vst v0  }
0x1c: {  	[tilespmem:s12+$0x200] =	vst v0  }
0x1d: {  	[tilespmem:s12+$0x210] =	vst v0  }
.Ltmp0:
0x1e: {  	[tilespmem:s12+$0x220] =	vst v0;
	(pc) =	sbr.rel @p0 .LBB2_2-.Ltmp0, $4  }
0x1f: {  	[tilespmem:s12+$0x230] =	vst v0  }
0x20: {  	[tilespmem:s12+$0x240] =	vst v0  }
0x21: {  	[tilespmem:s12+$0x250] =	vst v0  }
0x22: {  	[tilespmem:s12+$0x260] =	vst v0;
	s12 =	sshra.s32 s20, $0x2;
	s20 =	sadd.s32 $0x200, s20  }
0x23: {  	[tilespmem:s12+$0x270] =	vst v0  }
0x24: {  	[tilespmem:s12+$0x200] =	vst v0  }
0x25: {  	[tilespmem:s12+$0x210] =	vst v0  }
0x26: {  	[tilespmem:s12+$0x220] =	vst v0  }
0x27: {  	[tilespmem:s12+$0x230] =	vst v0  }
0x28: {  	[tilespmem:s12+$0x240] =	vst v0  }
0x29: {  	[tilespmem:s12+$0x250] =	vst v0  }
0x2a: {  	[tilespmem:s12+$0x260] =	vst v0;
	s12 =	simm.s32 $0x40;
	s20 =	simm.s32 $0x0  }
.LBB2_4:
0x2b: {  	p0 =	sne.s32 s12, $0x9DC0;
	[tilespmem:s20+$0x8200] =	vst v0;
	s20 =	smov.u32 s12;
	s12 =	sadd.s32 $0x40, s12  }
.Ltmp1:
0x2c: {  	(pc) =	sbr.rel @p0 .LBB2_4-.Ltmp1, $2  }
0x2d: {  	_ =	sdelay $0x2  }
0x2e: {  	s20 =	sshra.s32 s20, $0x2  }
0x2f: {  	[tilespmem:s20+$0x8200] =	vst v0  }
0x30: {  	[spmem:s7] =	stream.linear.scatter [tilespmem:s21], [sflag:$0x5], $0x4000, $0x38;
	[tilespmem:$0x1E580] =	vst v63  }
0x31: {  	_ =	swait.ge [sflag:s22], $0x4000  }
0x32: {  	[sflag:s22] =	ssyncset.done $0x0  }
0x33: {  	s10 =	rddreg [dreg:$0x5];
	[sflag:s22] =	ssyncadd.s32 $0xFFFFC000  }
0x34: {  	[spmem:s10] =	stream.linear.scatter [tilespmem:s21], [sflag:$0x5], $0x4000, $0x38;
	[tilespmem:$0x1E580] =	vst v63  }
0x35: {  	_ =	swait.ge [sflag:s22], $0x4000  }
0x36: {  	[sflag:s22] =	ssyncset.done $0x0  }
0x37: {  	s11 =	rddreg [dreg:$0x6];
	[sflag:s22] =	ssyncadd.s32 $0xFFFFC000  }
0x38: {  	[spmem:s11] =	stream.linear.scatter [tilespmem:s21], [sflag:$0x5], $0x4000, $0x38;
	[tilespmem:$0x1E580] =	vst v63  }
0x39: {  	_ =	swait.ge [sflag:s22], $0x4000  }
0x3a: {  	[sflag:s22] =	ssyncset.done $0x0  }
0x3b: {  	s12 =	rddreg [dreg:$0x7];
	[sflag:s22] =	ssyncadd.s32 $0xFFFFC000  }
0x3c: {  	[spmem:s12] =	stream.linear.scatter [tilespmem:s21], [sflag:$0x5], $0x4000, $0x38;
	[tilespmem:$0x1E580] =	vst v63  }
0x3d: {  	_ =	swait.ge [sflag:s22], $0x4000  }
0x3e: {  	[sflag:s22] =	ssyncset.done $0x0  }
0x3f: {  	s20 =	rddreg [dreg:$0x8];
	[sflag:s22] =	ssyncadd.s32 $0xFFFFC000  }
0x40: {  	[spmem:s20] =	stream.linear.scatter [tilespmem:s21], [sflag:$0x5], $0x3C00, $0x38;
	[tilespmem:$0x1E580] =	vst v63  }
0x41: {  	_ =	swait.ge [sflag:s22], $0x3C00  }
0x42: {  	[sflag:s22] =	ssyncset.done $0x0  }
0x43: {  	[sflag:s22] =	ssyncadd.s32 $0xFFFFC400  }
0x44: {  	[bflag:$0x0] =	sbarrier.arrive $0xFFFF  }
0x45: {  	[tilespmem:s4], [sflag:$0x5] =	stream.linear.gather [hbm4b:s13+s4], $0x80, $0x38;
	[tilespmem:$0x1E580] =	vst v63  }
0x46: {  	_ =	swait.ge [sflag:s22], $0x80  }
0x47: {  	[sflag:s22] =	ssyncset.done $0x0  }
0x48: {  	[sflag:s22] =	ssyncadd.s32 $0xFFFFFF80  }
0x49: {  	[tilespmem:s23], [sflag:$0x5] =	stream.linear.gather [hbm4b:s14+s4], $0x80, $0x38;
	[tilespmem:$0x1E580] =	vst v63  }
0x4a: {  	_ =	swait.ge [sflag:s22], $0x80  }
0x4b: {  	[sflag:s22] =	ssyncset.done $0x0  }
0x4c: {  	[sflag:s22] =	ssyncadd.s32 $0xFFFFFF80  }
0x4d: {  	[tilespmem:s21], [sflag:$0x1] =	stream.indirect.gather [hbm4b:s1+s24], $0x80, s4, s24, $0xb8;
	[tilespmem:$0x1E580] =	vst v63  }
0x4e: {  	_ = 	snop  }
0x4f: {  	[tilespmem:s24], [sflag:$0x5] =	stream.linear.gather [hbm4b:s15+s4], $0x80, $0x38;
	[tilespmem:$0x1E580] =	vst v63  }
0x50: {  	_ =	swait.ge [sflag:s22], $0x80  }
0x51: {  	[sflag:s22] =	ssyncset.done $0x0  }
0x52: {  	[sflag:s22] =	ssyncadd.s32 $0xFFFFFF80  }
0x53: {  	[tilespmem:s25], [sflag:$0x5] =	stream.linear.gather [hbm4b:s16+s4], $0x80, $0x38;
	[tilespmem:$0x1E580] =	vst v63  }
0x54: {  	_ =	swait.ge [sflag:s22], $0x80  }
0x55: {  	[sflag:s22] =	ssyncset.done $0x0  }
0x56: {  	s12 =	smov.u32 s9;
	s20 =	smov.u32 s8;
	[sflag:s22] =	ssyncadd.s32 $0xFFFFFF80  }
0x57: {  	[tilespmem:s26], [sflag:$0x2] =	stream.indirect.gather [hbm4b:s1+s24], $0x80, s24, s24, $0xb8;
	[tilespmem:$0x1E580] =	vst v63  }
.LBB2_6:
0x58: {  	_ =	swait.ge [sflag:s28], $0x4000  }
0x59: {  	[sflag:s28] =	ssyncset.done $0x0  }
0x5a: {  	[sflag:s28] =	ssyncadd.s32 $0xFFFFC000  }
0x5b: {  	[spmem:s2] =	stream.indirect.scatter.add.f32 [tilespmem:s21], [sflag:$0x3], $0x80, s23, s24, $0xb8;
	[tilespmem:$0x1E580] =	vst v63  }
0x5c: {  	v2 =	vld [tilespmem:$0x100];
	_ =	sdelay $0x7  }
0x5d: {  	[tilespmem:v2+s29+$0x0] =	vst.idx.add.f32.msk $0xffff, v1  }
0x5e: {  	v2 =	vld [tilespmem:$0x110];
	_ =	sdelay $0x7  }
0x5f: {  	[tilespmem:v2+s29+$0x0] =	vst.idx.add.f32.msk $0xffff, v1  }
0x60: {  	v2 =	vld [tilespmem:$0x120];
	_ =	sdelay $0x7  }
0x61: {  	[tilespmem:v2+s29+$0x0] =	vst.idx.add.f32.msk $0xffff, v1  }
0x62: {  	v2 =	vld [tilespmem:$0x130];
	_ =	sdelay $0x7  }
0x63: {  	[tilespmem:v2+s29+$0x0] =	vst.idx.add.f32.msk $0xffff, v1  }
0x64: {  	v2 =	vld [tilespmem:$0x140];
	_ =	sdelay $0x7  }
0x65: {  	[tilespmem:v2+s29+$0x0] =	vst.idx.add.f32.msk $0xffff, v1  }
0x66: {  	v2 =	vld [tilespmem:$0x150];
	_ =	sdelay $0x7  }
0x67: {  	[tilespmem:v2+s29+$0x0] =	vst.idx.add.f32.msk $0xffff, v1  }
0x68: {  	v2 =	vld [tilespmem:$0x160];
	_ =	sdelay $0x7  }
0x69: {  	[tilespmem:v2+s29+$0x0] =	vst.idx.add.f32.msk $0xffff, v1  }
0x6a: {  	v2 =	vld [tilespmem:$0x170];
	_ =	sdelay $0x7  }
0x6b: {  	[tilespmem:v2+s29+$0x0] =	vst.idx.add.f32.msk $0xffff, v1  }
0x6c: {  	_ =	swait.ge [sflag:s30], $0x4000  }
0x6d: {  	[sflag:s30] =	ssyncset.done $0x0  }
0x6e: {  	[sflag:s30] =	ssyncadd.s32 $0xFFFFC000  }
0x6f: {  	[spmem:s2] =	stream.indirect.scatter.add.f32 [tilespmem:s26], [sflag:$0x4], $0x80, s25, s24, $0xb8;
	[tilespmem:$0x1E580] =	vst v63  }
0x70: {  	v2 =	vld [tilespmem:$0x180];
	_ =	sdelay $0x7  }
0x71: {  	[tilespmem:v2+s29+$0x0] =	vst.idx.add.f32.msk $0xffff, v1  }
0x72: {  	v2 =	vld [tilespmem:$0x190];
	_ =	sdelay $0x7  }
0x73: {  	[tilespmem:v2+s29+$0x0] =	vst.idx.add.f32.msk $0xffff, v1  }
0x74: {  	v2 =	vld [tilespmem:$0x1A0];
	_ =	sdelay $0x7  }
0x75: {  	[tilespmem:v2+s29+$0x0] =	vst.idx.add.f32.msk $0xffff, v1  }
0x76: {  	v2 =	vld [tilespmem:$0x1B0];
	_ =	sdelay $0x7  }
0x77: {  	[tilespmem:v2+s29+$0x0] =	vst.idx.add.f32.msk $0xffff, v1  }
0x78: {  	v2 =	vld [tilespmem:$0x1C0];
	_ =	sdelay $0x7  }
0x79: {  	[tilespmem:v2+s29+$0x0] =	vst.idx.add.f32.msk $0xffff, v1  }
0x7a: {  	v2 =	vld [tilespmem:$0x1D0];
	_ =	sdelay $0x7  }
0x7b: {  	[tilespmem:v2+s29+$0x0] =	vst.idx.add.f32.msk $0xffff, v1  }
0x7c: {  	v2 =	vld [tilespmem:$0x1E0];
	_ =	sdelay $0x7  }
0x7d: {  	[tilespmem:v2+s29+$0x0] =	vst.idx.add.f32.msk $0xffff, v1  }
0x7e: {  	v2 =	vld [tilespmem:$0x1F0];
	_ =	sdelay $0x5  }
0x7f: {  	s10 =	sadd.s32 $0xFFFFFFFF, s20  }
0x80: {  	p0 =	slt.s32 s10, $0x9C3  }
0x81: {  	s10 =	simm.s32 @!p0 $0x9C3;
	[tilespmem:v2+s29+$0x0] =	vst.idx.add.f32.msk $0xffff, v1  }
0x82: {  	s10 =	sshll.u32 s10, $0x4;
	_ =	swait.ge [sflag:s31], $0x4000  }
0x83: {  	s10 =	sand.u32 $0x1FFFFFF0, s10;
	[sflag:s31] =	ssyncset.done $0x0  }
0x84: {  	s11 =	sadd.s32 s5, s10;
	[sflag:s31] =	ssyncadd.s32 $0xFFFFC000  }
0x85: {  	[tilespmem:s4], [sflag:$0x5] =	stream.linear.gather [hbm4b:s11+s4], $0x80, $0x38;
	[tilespmem:$0x1E580] =	vst v63  }
0x86: {  	_ =	swait.ge [sflag:s22], $0x80  }
0x87: {  	[sflag:s22] =	ssyncset.done $0x0  }
0x88: {  	s10 =	sadd.s32 s6, s10;
	[sflag:s22] =	ssyncadd.s32 $0xFFFFFF80  }
0x89: {  	[tilespmem:s23], [sflag:$0x5] =	stream.linear.gather [hbm4b:s10+s4], $0x80, $0x38;
	[tilespmem:$0x1E580] =	vst v63  }
0x8a: {  	_ =	swait.ge [sflag:s22], $0x80  }
0x8b: {  	p0 =	slt.s32 s20, $0x9C3;
	s10 =	smov.u32 s20;
	[sflag:s22] =	ssyncset.done $0x0  }
0x8c: {  	s10 =	simm.s32 @!p0 $0x9C3;
	[sflag:s22] =	ssyncadd.s32 $0xFFFFFF80  }
0x8d: {  	[tilespmem:s21], [sflag:$0x1] =	stream.indirect.gather [hbm4b:s1+s24], $0x80, s4, s24, $0xb8;
	[tilespmem:$0x1E580] =	vst v63  }
0x8e: {  	s10 =	sshll.u32 s10, $0x4;
	_ =	swait.ge [sflag:s0], $0x4000  }
0x8f: {  	s10 =	sand.u32 $0x1FFFFFF0, s10;
	[sflag:s0] =	ssyncset.done $0x0  }
0x90: {  	s11 =	sadd.s32 s5, s10;
	[sflag:s0] =	ssyncadd.s32 $0xFFFFC000  }
0x91: {  	[tilespmem:s24], [sflag:$0x5] =	stream.linear.gather [hbm4b:s11+s4], $0x80, $0x38;
	[tilespmem:$0x1E580] =	vst v63  }
0x92: {  	_ =	swait.ge [sflag:s22], $0x80  }
0x93: {  	[sflag:s22] =	ssyncset.done $0x0  }
0x94: {  	p0 =	sne.s32 s12, $0x1;
	s10 =	sadd.s32 s6, s10;
	[sflag:s22] =	ssyncadd.s32 $0xFFFFFF80  }
0x95: {  	[tilespmem:s25], [sflag:$0x5] =	stream.linear.gather [hbm4b:s10+s4], $0x80, $0x38;
	[tilespmem:$0x1E580] =	vst v63  }
.Ltmp2:
0x96: {  	_ = 	snop;
	(pc) =	sbr.rel @p0 .LBB2_6-.Ltmp2, $4  }
0x97: {  	_ =	swait.ge [sflag:s22], $0x80  }
0x98: {  	[sflag:s22] =	ssyncset.done $0x0  }
0x99: {  	s20 =	sadd.s32 $0x2, s20;
	s12 =	sadd.s32 $0xFFFFFFFF, s12;
	[sflag:s22] =	ssyncadd.s32 $0xFFFFFF80  }
0x9a: {  	[tilespmem:s26], [sflag:$0x2] =	stream.indirect.gather [hbm4b:s1+s24], $0x80, s24, s24, $0xb8;
	[tilespmem:$0x1E580] =	vst v63  }
0x9b: {  	_ =	swait.ge [sflag:s28], $0x4000  }
0x9c: {  	[sflag:s28] =	ssyncset.done $0x0  }
0x9d: {  	[sflag:s28] =	ssyncadd.s32 $0xFFFFC000  }
0x9e: {  	_ =	swait.ge [sflag:s30], $0x4000  }
0x9f: {  	s10 =	stileid.u32;
	[sflag:s30] =	ssyncset.done $0x0  }
0xa0: {  	s10 =	sshll.u32 s10, $0x6;
	[sflag:s30] =	ssyncadd.s32 $0xFFFFC000  }
0xa1: {  	s11 =	sshrl.u32 s7, $0x3;
	s10 =	sor.u32 $0x1C05, s10;
	[bflag:$0x0] =	sbarrier.arrive $0xFFFF  }
0xa2: {  	[hbm:s17], [sflag:s10] =	dma.local [spmem:s11], $0x2780  }
0xa3: {  	s3 =	sadd.s32 $0x1, s3;
	_ =	swait.ge [sflag:s22], $0x2780  }
0xa4: {  	p0 =	sne.s32 s3, s19;
	[sflag:s22] =	ssyncset.done $0x0  }
.Ltmp3:
0xa5: {  	[sflag:s22] =	ssyncadd.s32 $0xFFFFD880;
	(pc) =	sbr.rel @p0 .LBB2_1-.Ltmp3, $4  }
0xa6: {  	[hbm4b:s18+s4] =	stream.linear.scatter [tilespmem:s29], [sflag:$0x5], $0x2780, $0x38;
	[tilespmem:$0x1E580] =	vst v63  }
0xa7: {  	_ =	swait.ge [sflag:s22], $0x2780  }
0xa8: {  	[sflag:s22] =	ssyncset.done $0x0  }
0xa9: {  	[sflag:s22] =	ssyncadd.s32 $0xFFFFD880  }
0xaa: {  	_ =	sfence.sel $0x180000  }
0xab: {  	[bflag:$0x0] =	sbarrier.arrive $0xFFFF  }
0xac: {  	_ =	strace $0x90000047  }
0xad: {  	s0 =	stileid.u32;
	[bflag:$0x2] =	sbarrier.arrive $0xFFFF  }
0xae: {  	p0 =	sne.s32 s0, $0x0;
	s0 =	rddreg [dreg:$0x4]  }
0xaf: {  	s0 =	sadd.s32 @!p0 $0x100000, s0  }
0xb0: {  	[sflag:s0] =	ssyncadd.tile.s32 @!p0 $0x1;
	_ =	shalt  }
.Lfunc_end2:
_tile_overlayer_lowered:
.L_overlay_start_2:
0xb1: {  	(tag) =	ssettag $0x2  }
0xb2: {  	s0 =	rddreg [dreg:$0x0];
	s2 =	stileid.u32  }
0xb3: {  	s1 =	rddreg [dreg:$0x1];
	p0 =	sne.s32 s2, $0x0  }
0xb4: {  	s3 =	rddreg [dreg:$0x2];
	[bflag:$0x3] =	sbarrier.arrive $0xFFFF;
	s2 =	simm.s32 @!p0 $0x1C05  }
0xb5: {  	[timem:s3], [sflag:s2] =	dma.local @!p0 [hbm:s0], s1  }
0xb6: {  	s0 =	simm.s32 @!p0 $0x5  }
0xb7: {  	_ =	swait.ge @!p0 [sflag:s0], s1  }
0xb8: {  	s1 =	ssub.s32 @!p0 $0x0, s1;
	[sflag:s0] =	ssyncset.done @!p0 $0x0  }
0xb9: {  	[sflag:s0] =	ssyncadd.s32 @!p0 s1  }
0xba: {  	[bflag:$0x3] =	sbarrier.arrive $0xFFFF  }
0xbb: {  	_ =	shalt  }

</sc_bundles>
